<compile_context>
chip_gen: v7x
topology: tpu7x:2x2x1
jax: 0.10.2.dev20260603
libtpu: 0.0.44.dev20260713+nightly
codegen_flags: <defaults>
</compile_context>

<pallas_src>
import jax
import jax.numpy as jnp
from jax import lax
from jax.experimental import pallas as pl
from jax.experimental.pallas import tpu as pltpu
from jax.experimental.pallas import tpu_sc as plsc

N = 10000
E = 320000
IN_FEATS = 128
H = 4
F = 32
HF = H * F
NEG_SLOPE = 0.2

NC = 2
NS = 16
CH = 80
NP = 10240
RPT = NP // NS

HPC = H // NC
HHF = HF // NC
CW = 80
EPT = E // NS
NCH = EPT // CH


def _mm_body(feat_ref, wt_ref, alr_ref, fs_ref, elr_ref):
    fs = jnp.dot(feat_ref[...], wt_ref[...], preferred_element_type=jnp.float32)
    fs_ref[...] = fs
    elr_ref[...] = jnp.dot(fs, alr_ref[...], preferred_element_type=jnp.float32)


def _matmul(feat, WT, ALR):
    blk = 1000
    grid = N // blk
    return pl.pallas_call(
        _mm_body,
        grid=(grid,),
        in_specs=[
            pl.BlockSpec((blk, IN_FEATS), lambda i: (i, 0)),
            pl.BlockSpec((IN_FEATS, HF), lambda i: (0, 0)),
            pl.BlockSpec((HF, 2 * H), lambda i: (0, 0)),
        ],
        out_specs=[
            pl.BlockSpec((blk, HF), lambda i: (i, 0)),
            pl.BlockSpec((blk, 2 * H), lambda i: (i, 0)),
        ],
        out_shape=[
            jax.ShapeDtypeStruct((N, HF), jnp.float32),
            jax.ShapeDtypeStruct((N, 2 * H), jnp.float32),
        ],
    )(feat, WT, ALR)


def _sc_body(src_hbm, dst_hbm, elr_hbm, feat_hbm, num_hbm,
             elr_v, srcv0, dstv0, srcv1, dstv1, rows0, rows1, comb, acc,
             sem_i0, sem_i1, sem_r0, sem_r1):
    c = lax.axis_index("c")
    s = lax.axis_index("s")

    zv = jnp.zeros((16,), jnp.float32)

    def zero_body(r, carry0):
        for k in range(CW // 16):
            comb[r, pl.ds(k * 16, 16)] = zv
        return carry0

    lax.fori_loop(0, CH, zero_body, 0)

    def zero_acc(b, carry0):
        pltpu.sync_copy(comb, acc.at[pl.ds(s * RPT + b * CH, CH)])
        return carry0

    lax.fori_loop(0, RPT // CH, zero_acc, 0)

    pltpu.sync_copy(elr_hbm.at[c], elr_v)
    plsc.subcore_barrier()

    ebase = s * EPT
    emax = E - CH

    def issue_ids(ci, sv, dv, sem):
        base = jnp.minimum(ebase + ci * CH, emax)
        pltpu.async_copy(src_hbm.at[pl.ds(base, CH)], sv, sem)
        pltpu.async_copy(dst_hbm.at[pl.ds(base, CH)], dv, sem)

    def wait_ids(sv, dv, sem):
        pltpu.make_async_copy(src_hbm.at[pl.ds(0, CH)], sv, sem).wait()
        pltpu.make_async_copy(dst_hbm.at[pl.ds(0, CH)], dv, sem).wait()

    def issue_rows(sv, rows, sem):
        pltpu.async_copy(feat_hbm.at[c].at[sv], rows, sem)

    def wait_rows(sv, rows, sem):
        pltpu.make_async_copy(feat_hbm.at[c].at[sv], rows, sem).wait()

    def compute(sv, dv, rows):
        for g in range(CH // 16):
            sidx = sv[pl.ds(g * 16, 16)]
            didx = dv[pl.ds(g * 16, 16)]
            row_ids = jax.lax.iota(jnp.int32, 16) + (g * 16)
            for lh in range(HPC):
                el = plsc.load_gather(elr_v, [sidx * 4 + lh])
                er = plsc.load_gather(elr_v, [didx * 4 + (HPC + lh)])
                e = el + er
                e = jnp.where(e > 0, e, NEG_SLOPE * e)
                ex = jnp.exp(e)
                plsc.store_scatter(
                    comb, [row_ids, jnp.full((16,), HHF + lh, jnp.int32)], ex)

        def edge_body(r, carry2):
            ev = comb[r, pl.ds(HHF, 16)]
            for v in range(HHF // 16):
                seg = rows[r, pl.ds(v * 16, 16)]
                comb[r, pl.ds(v * 16, 16)] = seg * ev[v * 16 // F]
            return carry2

        lax.fori_loop(0, CH, edge_body, 0)

        pltpu.sync_copy(comb, acc.at[dv], add=True)

    issue_ids(0, srcv0, dstv0, sem_i0)
    issue_ids(1, srcv1, dstv1, sem_i1)
    wait_ids(srcv0, dstv0, sem_i0)
    issue_rows(srcv0, rows0, sem_r0)

    def pair_body(j, carry):
        c0 = 2 * j
        wait_rows(srcv0, rows0, sem_r0)
        wait_ids(srcv1, dstv1, sem_i1)
        issue_rows(srcv1, rows1, sem_r1)
        compute(srcv0, dstv0, rows0)
        issue_ids(c0 + 2, srcv0, dstv0, sem_i0)
        wait_rows(srcv1, rows1, sem_r1)
        compute(srcv1, dstv1, rows1)
        issue_ids(c0 + 3, srcv1, dstv1, sem_i1)
        wait_ids(srcv0, dstv0, sem_i0)
        issue_rows(srcv0, rows0, sem_r0)
        return carry

    lax.fori_loop(0, NCH // 2, pair_body, 0)
    wait_rows(srcv0, rows0, sem_r0)
    wait_ids(srcv1, dstv1, sem_i1)

    plsc.subcore_barrier()
    pltpu.sync_copy(acc.at[pl.ds(s * RPT, RPT)],
                    num_hbm.at[c, pl.ds(s * RPT, RPT)])


def _sc_edge_phase(src, dst, elr_pc, feat_halves):
    mesh = plsc.VectorSubcoreMesh(core_axis_name="c", subcore_axis_name="s")
    return pl.kernel(
        _sc_body,
        out_type=jax.ShapeDtypeStruct((NC, NP, CW), jnp.float32),
        mesh=mesh,
        compiler_params=pltpu.CompilerParams(
            use_tc_tiling_on_sc=False, needs_layout_passes=False),
        scratch_types=[
            pltpu.VMEM((N * 2 * HPC,), jnp.float32),
            pltpu.VMEM((CH,), jnp.int32),
            pltpu.VMEM((CH,), jnp.int32),
            pltpu.VMEM((CH,), jnp.int32),
            pltpu.VMEM((CH,), jnp.int32),
            pltpu.VMEM((CH, HHF), jnp.float32),
            pltpu.VMEM((CH, HHF), jnp.float32),
            pltpu.VMEM((CH, CW), jnp.float32),
            pltpu.VMEM_SHARED((NP, CW), jnp.float32),
            pltpu.SemaphoreType.DMA,
            pltpu.SemaphoreType.DMA,
            pltpu.SemaphoreType.DMA,
            pltpu.SemaphoreType.DMA,
        ],
    )(src, dst, elr_pc, feat_halves)


def _fin_body(n0_ref, n1_ref, out_ref):
    n0 = n0_ref[0]
    n1 = n1_ref[0]
    num = jnp.concatenate([n0[:, :HHF], n1[:, :HHF]], axis=1)
    parts = []
    for h in range(H):
        nh = n0 if h < HPC else n1
        col = HHF + (h % HPC)
        parts.append(jnp.broadcast_to(nh[:, col:col + 1], (n0.shape[0], F)))
    den_full = jnp.concatenate(parts, axis=1)
    out_ref[...] = jnp.where(den_full > 0, num / den_full, 0.0)


def _finish(num_parts):
    blk = 1024
    grid = NP // blk
    return pl.pallas_call(
        _fin_body,
        grid=(grid,),
        in_specs=[
            pl.BlockSpec((1, blk, CW), lambda i: (0, i, 0)),
            pl.BlockSpec((1, blk, CW), lambda i: (1, i, 0)),
        ],
        out_specs=pl.BlockSpec((blk, HF), lambda i: (i, 0)),
        out_shape=jax.ShapeDtypeStruct((NP, HF), jnp.float32),
    )(num_parts, num_parts)


@jax.jit
def kernel(feat, edge_index, W, attn_l, attn_r):
    src = edge_index[0].astype(jnp.int32)
    dst = edge_index[1].astype(jnp.int32)
    WT = W.T
    al = attn_l.reshape(H, F)
    ar = attn_r.reshape(H, F)
    alr = jnp.zeros((HF, 2 * H), jnp.float32)
    rows_idx = jnp.arange(HF)
    h_of = rows_idx // F
    col_el = (h_of // HPC) * (2 * HPC) + (h_of % HPC)
    alr = alr.at[rows_idx, col_el].set(al.reshape(-1))
    alr = alr.at[rows_idx, col_el + HPC].set(ar.reshape(-1))

    feat_src, elr = _matmul(feat, WT, alr)

    feat_halves = feat_src.reshape(N, NC, HHF).transpose(1, 0, 2)
    elr_pc = elr.reshape(N, NC, 2 * HPC).transpose(1, 0, 2).reshape(NC, -1)
    num_parts = _sc_edge_phase(src, dst, elr_pc, feat_halves)

    out = _finish(num_parts)
    return out[:N].reshape(N, H, F)

# --- scband reference (transcript-rebuilt; emitter-appended) ---
"""Pipeline reference for scband-gatconv-2345052143744 (READ-ONLY COPY).

The authoritative reference and input builder live on the scoring server;
editing this copy changes nothing except your own understanding.
"""

import jax, jax.numpy as jnp
import numpy as np

N = 10000
E = 320000
IN_FEATS = 128
H = 4
F = 32
NEG_SLOPE = 0.2


def setup_inputs(seed: int = 0) -> dict:
    key = jax.random.key(seed)
    k1, k2, k3, k4, k5 = jax.random.split(key, 5)
    feat = jax.random.normal(k1, (N, IN_FEATS), dtype=jnp.float32)
    edge_index = jax.random.randint(k2, (2, E), 0, N, dtype=jnp.int64) if jax.config.jax_enable_x64 else jax.random.randint(k2, (2, E), 0, N).astype(jnp.int32)
    # xavier_uniform for fc weight (H*F, IN_FEATS)
    limit_w = float(np.sqrt(6.0 / (H * F + IN_FEATS)))
    W = jax.random.uniform(k3, (H * F, IN_FEATS), dtype=jnp.float32, minval=-limit_w, maxval=limit_w)
    limit_a = float(np.sqrt(6.0 / (1 * H + F)))
    attn_l = jax.random.uniform(k4, (1, H, F), dtype=jnp.float32, minval=-limit_a, maxval=limit_a)
    attn_r = jax.random.uniform(k5, (1, H, F), dtype=jnp.float32, minval=-limit_a, maxval=limit_a)
    return {"feat": feat, "edge_index": edge_index, "W": W, "attn_l": attn_l, "attn_r": attn_r}


def reference(feat, edge_index, W, attn_l, attn_r):
    src = edge_index[0]
    dst = edge_index[1]
    # fc: feat @ W.T, view as (N, H, F)
    feat_src = (feat @ W.T).reshape(-1, H, F)
    # attention logits per node
    el = (feat_src * attn_l).sum(axis=-1)  # (N, H)
    er = (feat_src * attn_r).sum(axis=-1)  # (N, H)
    # u_add_v: e = el[src] + er[dst]
    e = el[src] + er[dst]  # (E, H)
    # leaky relu
    e = jnp.where(e > 0, e, NEG_SLOPE * e)
    # edge softmax grouped by dst
    m = jax.ops.segment_max(e, dst, num_segments=N)  # (N, H)
    m = jnp.where(jnp.isfinite(m), m, 0.0)
    e_exp = jnp.exp(e - m[dst])  # (E, H)
    denom = jax.ops.segment_sum(e_exp, dst, num_segments=N)  # (N, H)
    a = e_exp / denom[dst]  # (E, H)
    # message passing: u_mul_e then sum to dst
    msg = feat_src[src] * a[:, :, None]  # (E, H, F)
    rst = jax.ops.segment_sum(msg, dst, num_segments=N)  # (N, H, F)
    return rst

if __name__ == "__main__":
    import jax
    _d = setup_inputs()
    print(jax.jit(kernel)(*tuple(_d.values())))

</pallas_src>

<mosaic_0001>
#map = affine_map<(d0, d1) -> (0)>
#map1 = affine_map<(d0, d1) -> (0, 0)>
#map2 = affine_map<(d0, d1) -> (0, 0, 0)>
module attributes {stable_mosaic.version = 14 : i64} {
  func.func @_sc_body(%arg0: i32, %arg1: i32, %arg2: memref<320000xi32, #tpu.memory_space<hbm>>, %arg3: memref<320000xi32, #tpu.memory_space<hbm>>, %arg4: memref<2x40000xf32, #tpu.memory_space<hbm>>, %arg5: memref<2x10000x64xf32, #tpu.memory_space<hbm>>, %arg6: memref<2x10240x80xf32, #tpu.memory_space<hbm>>, %arg7: memref<40000xf32, #tpu.memory_space<vmem>>, %arg8: memref<80xi32, #tpu.memory_space<vmem>>, %arg9: memref<80xi32, #tpu.memory_space<vmem>>, %arg10: memref<80xi32, #tpu.memory_space<vmem>>, %arg11: memref<80xi32, #tpu.memory_space<vmem>>, %arg12: memref<80x64xf32, #tpu.memory_space<vmem>>, %arg13: memref<80x64xf32, #tpu.memory_space<vmem>>, %arg14: memref<80x80xf32, #tpu.memory_space<vmem>>, %arg15: memref<10240x80xf32, #tpu.memory_space<vmem_shared>>, %arg16: memref<!tpu.dma_semaphore, #tpu.memory_space<semaphore_mem>>, %arg17: memref<!tpu.dma_semaphore, #tpu.memory_space<semaphore_mem>>, %arg18: memref<!tpu.dma_semaphore, #tpu.memory_space<semaphore_mem>>, %arg19: memref<!tpu.dma_semaphore, #tpu.memory_space<semaphore_mem>>) attributes {dimension_semantics = [#tpu.dimension_semantics<core_parallel>, #tpu.dimension_semantics<subcore_parallel>], iteration_bounds = array<i64: 2, 16>, scalar_prefetch = 0 : i64, scratch_operands = 13 : i64, tpu.core_type = #tpu.core_type<sc_vector_subcore>, window_params = [{transform_indices = #map}, {transform_indices = #map}, {transform_indices = #map1}, {transform_indices = #map2}, {transform_indices = #map2}]} {
    %broadcast_in_dim3A = arith.constant 0.000000e+00 : f32
    %broadcast_in_dim3A_0 = vector.broadcast %broadcast_in_dim3A : f32 to vector<16xf32>
    %scan3A = arith.constant 0 : i32
    %scan3A_1 = arith.constant 0 : i32
    %scan3A_2 = arith.constant 80 : i32
    %scan3A_3 = arith.addi %scan3A_1, %scan3A_2 : i32
    %scan3A_4 = arith.constant 1 : i32
    scf.for %scan3A_66 = %scan3A_1 to %scan3A_3 step %scan3A_4  : i32 {
      %swap3A = arith.index_cast %scan3A_66 : i32 to index
      %swap3A_67 = arith.constant 0 : index
      %swap3A_68 = tpu.vector_load %arg14[%swap3A, %swap3A_67] {strides = array<i32>} : memref<80x80xf32, #tpu.memory_space<vmem>>, vector<16xf32>,
      tpu.vector_store %arg14[%swap3A, %swap3A_67], %broadcast_in_dim3A_0 {strides = array<i32>} : memref<80x80xf32, #tpu.memory_space<vmem>>, vector<16xf32>,
      %swap3A_69 = arith.index_cast %scan3A_66 : i32 to index
      %swap3A_70 = arith.constant 16 : index
      %swap3A_71 = tpu.vector_load %arg14[%swap3A_69, %swap3A_70] {strides = array<i32>} : memref<80x80xf32, #tpu.memory_space<vmem>>, vector<16xf32>,
      tpu.vector_store %arg14[%swap3A_69, %swap3A_70], %broadcast_in_dim3A_0 {strides = array<i32>} : memref<80x80xf32, #tpu.memory_space<vmem>>, vector<16xf32>,
      %swap3A_72 = arith.index_cast %scan3A_66 : i32 to index
      %swap3A_73 = arith.constant 32 : index
      %swap3A_74 = tpu.vector_load %arg14[%swap3A_72, %swap3A_73] {strides = array<i32>} : memref<80x80xf32, #tpu.memory_space<vmem>>, vector<16xf32>,
      tpu.vector_store %arg14[%swap3A_72, %swap3A_73], %broadcast_in_dim3A_0 {strides = array<i32>} : memref<80x80xf32, #tpu.memory_space<vmem>>, vector<16xf32>,
      %swap3A_75 = arith.index_cast %scan3A_66 : i32 to index
      %swap3A_76 = arith.constant 48 : index
      %swap3A_77 = tpu.vector_load %arg14[%swap3A_75, %swap3A_76] {strides = array<i32>} : memref<80x80xf32, #tpu.memory_space<vmem>>, vector<16xf32>,
      tpu.vector_store %arg14[%swap3A_75, %swap3A_76], %broadcast_in_dim3A_0 {strides = array<i32>} : memref<80x80xf32, #tpu.memory_space<vmem>>, vector<16xf32>,
      %swap3A_78 = arith.index_cast %scan3A_66 : i32 to index
      %swap3A_79 = arith.constant 64 : index
      %swap3A_80 = tpu.vector_load %arg14[%swap3A_78, %swap3A_79] {strides = array<i32>} : memref<80x80xf32, #tpu.memory_space<vmem>>, vector<16xf32>,
      tpu.vector_store %arg14[%swap3A_78, %swap3A_79], %broadcast_in_dim3A_0 {strides = array<i32>} : memref<80x80xf32, #tpu.memory_space<vmem>>, vector<16xf32>,
    }
    %scan3A_5 = arith.constant 80 : i32
    %scan3A_6 = arith.constant 0 : i32
    %scan3A_7 = arith.constant 0 : i32
    %scan3A_8 = arith.constant 8 : i32
    %scan3A_9 = arith.addi %scan3A_7, %scan3A_8 : i32
    %scan3A_10 = arith.constant 1 : i32
    scf.for %scan3A_66 = %scan3A_7 to %scan3A_9 step %scan3A_10  : i32 {
      %mul3A_67 = arith.constant 640 : i32
      %mul3A_68 = arith.muli %arg1, %mul3A_67 : i32
      %mul3A_69 = arith.constant 80 : i32
      %mul3A_70 = arith.muli %scan3A_66, %mul3A_69 : i32
      %add3A_71 = arith.addi %mul3A_68, %mul3A_70 : i32
      "tpu.region"() ({
        %run_scoped3A = tpu.sem_alloc : memref<!tpu.dma_semaphore, #tpu.memory_space<semaphore_mem>>
        %dma_start3A_72 = arith.constant 0 : i32
        %dma_start3A_73 = tpu.memref_slice %arg15[%add3A_71, %dma_start3A_72] : memref<10240x80xf32, #tpu.memory_space<vmem_shared>> -> memref<80x80xf32, #tpu.memory_space<vmem_shared>>
        %dma_start3A_74 = arith.constant 0 : i32
        %dma_start3A_75 = tpu.memref_slice %arg15[%add3A_71, %dma_start3A_74] : memref<10240x80xf32, #tpu.memory_space<vmem_shared>> -> memref<80x80xf32, #tpu.memory_space<vmem_shared>>
        tpu.enqueue_dma source(%arg14 : memref<80x80xf32, #tpu.memory_space<vmem>>) target(%dma_start3A_75 : memref<80x80xf32, #tpu.memory_space<vmem_shared>>) target_semaphore(%run_scoped3A : memref<!tpu.dma_semaphore, #tpu.memory_space<semaphore_mem>>)
        %dma_wait3A_76 = arith.constant 0 : i32
        %dma_wait3A_77 = tpu.memref_slice %arg15[%add3A_71, %dma_wait3A_76] : memref<10240x80xf32, #tpu.memory_space<vmem_shared>> -> memref<80x80xf32, #tpu.memory_space<vmem_shared>>
        %dma_wait3A_78 = arith.constant 0 : i32
        %dma_wait3A_79 = tpu.memref_slice %arg15[%add3A_71, %dma_wait3A_78] : memref<10240x80xf32, #tpu.memory_space<vmem_shared>> -> memref<80x80xf32, #tpu.memory_space<vmem_shared>>
        tpu.wait_dma2 semaphore(%run_scoped3A : memref<!tpu.dma_semaphore, #tpu.memory_space<semaphore_mem>>) src(%arg14 : memref<80x80xf32, #tpu.memory_space<vmem>>) dst(%dma_wait3A_79 : memref<80x80xf32, #tpu.memory_space<vmem_shared>>)
        tpu.yield
      }) : () -> ()
    }
    %scan3A_11 = arith.constant 8 : i32
    "tpu.region"() ({
      %run_scoped3A = tpu.sem_alloc : memref<!tpu.dma_semaphore, #tpu.memory_space<semaphore_mem>>
      %dma_start3A_66 = arith.constant 0 : i32
      %dma_start3A_67 = tpu.memref_slice %arg4[%arg0, %dma_start3A_66] : memref<2x40000xf32, #tpu.memory_space<hbm>> -> memref<1x40000xf32, #tpu.memory_space<hbm>>
      %dma_start3A_68 = tpu.memref_squeeze %dma_start3A_67 : memref<1x40000xf32, #tpu.memory_space<hbm>> -> memref<40000xf32, #tpu.memory_space<hbm>>
      %dma_start3A_69 = arith.constant 0 : i32
      %dma_start3A_70 = tpu.memref_slice %arg4[%arg0, %dma_start3A_69] : memref<2x40000xf32, #tpu.memory_space<hbm>> -> memref<1x40000xf32, #tpu.memory_space<hbm>>
      %dma_start3A_71 = tpu.memref_squeeze %dma_start3A_70 : memref<1x40000xf32, #tpu.memory_space<hbm>> -> memref<40000xf32, #tpu.memory_space<hbm>>
      tpu.enqueue_dma source(%dma_start3A_71 : memref<40000xf32, #tpu.memory_space<hbm>>) target(%arg7 : memref<40000xf32, #tpu.memory_space<vmem>>) target_semaphore(%run_scoped3A : memref<!tpu.dma_semaphore, #tpu.memory_space<semaphore_mem>>)
      %dma_wait3A_72 = arith.constant 0 : i32
      %dma_wait3A_73 = tpu.memref_slice %arg4[%arg0, %dma_wait3A_72] : memref<2x40000xf32, #tpu.memory_space<hbm>> -> memref<1x40000xf32, #tpu.memory_space<hbm>>
      %dma_wait3A_74 = tpu.memref_squeeze %dma_wait3A_73 : memref<1x40000xf32, #tpu.memory_space<hbm>> -> memref<40000xf32, #tpu.memory_space<hbm>>
      %dma_wait3A_75 = arith.constant 0 : i32
      %dma_wait3A_76 = tpu.memref_slice %arg4[%arg0, %dma_wait3A_75] : memref<2x40000xf32, #tpu.memory_space<hbm>> -> memref<1x40000xf32, #tpu.memory_space<hbm>>
      %dma_wait3A_77 = tpu.memref_squeeze %dma_wait3A_76 : memref<1x40000xf32, #tpu.memory_space<hbm>> -> memref<40000xf32, #tpu.memory_space<hbm>>
      tpu.wait_dma2 semaphore(%run_scoped3A : memref<!tpu.dma_semaphore, #tpu.memory_space<semaphore_mem>>) src(%dma_wait3A_77 : memref<40000xf32, #tpu.memory_space<hbm>>) dst(%arg7 : memref<40000xf32, #tpu.memory_space<vmem>>)
      tpu.yield
    }) : () -> ()
    %barrier3A = arith.constant 0 : index
    tpu.barrier barrier_id(%barrier3A)
    %mul3A = arith.constant 20000 : i32
    %mul3A_12 = arith.muli %arg1, %mul3A : i32
    %add3A = arith.constant 0 : i32
    %add3A_13 = arith.addi %mul3A_12, %add3A : i32
    %min3A = arith.constant 319920 : i32
    %min3A_14 = arith.minsi %add3A_13, %min3A : i32
    %dma_start3A = tpu.memref_slice %arg2[%min3A_14] : memref<320000xi32, #tpu.memory_space<hbm>> -> memref<80xi32, #tpu.memory_space<hbm>>
    %dma_start3A_15 = tpu.memref_slice %arg2[%min3A_14] : memref<320000xi32, #tpu.memory_space<hbm>> -> memref<80xi32, #tpu.memory_space<hbm>>
    tpu.enqueue_dma source(%dma_start3A_15 : memref<80xi32, #tpu.memory_space<hbm>>) target(%arg8 : memref<80xi32, #tpu.memory_space<vmem>>) target_semaphore(%arg16 : memref<!tpu.dma_semaphore, #tpu.memory_space<semaphore_mem>>)
    %dma_start3A_16 = tpu.memref_slice %arg3[%min3A_14] : memref<320000xi32, #tpu.memory_space<hbm>> -> memref<80xi32, #tpu.memory_space<hbm>>
    %dma_start3A_17 = tpu.memref_slice %arg3[%min3A_14] : memref<320000xi32, #tpu.memory_space<hbm>> -> memref<80xi32, #tpu.memory_space<hbm>>
    tpu.enqueue_dma source(%dma_start3A_17 : memref<80xi32, #tpu.memory_space<hbm>>) target(%arg9 : memref<80xi32, #tpu.memory_space<vmem>>) target_semaphore(%arg16 : memref<!tpu.dma_semaphore, #tpu.memory_space<semaphore_mem>>)
    %add3A_18 = arith.constant 80 : i32
    %add3A_19 = arith.addi %mul3A_12, %add3A_18 : i32
    %min3A_20 = arith.constant 319920 : i32
    %min3A_21 = arith.minsi %add3A_19, %min3A_20 : i32
    %dma_start3A_22 = tpu.memref_slice %arg2[%min3A_21] : memref<320000xi32, #tpu.memory_space<hbm>> -> memref<80xi32, #tpu.memory_space<hbm>>
    %dma_start3A_23 = tpu.memref_slice %arg2[%min3A_21] : memref<320000xi32, #tpu.memory_space<hbm>> -> memref<80xi32, #tpu.memory_space<hbm>>
    tpu.enqueue_dma source(%dma_start3A_23 : memref<80xi32, #tpu.memory_space<hbm>>) target(%arg10 : memref<80xi32, #tpu.memory_space<vmem>>) target_semaphore(%arg17 : memref<!tpu.dma_semaphore, #tpu.memory_space<semaphore_mem>>)
    %dma_start3A_24 = tpu.memref_slice %arg3[%min3A_21] : memref<320000xi32, #tpu.memory_space<hbm>> -> memref<80xi32, #tpu.memory_space<hbm>>
    %dma_start3A_25 = tpu.memref_slice %arg3[%min3A_21] : memref<320000xi32, #tpu.memory_space<hbm>> -> memref<80xi32, #tpu.memory_space<hbm>>
    tpu.enqueue_dma source(%dma_start3A_25 : memref<80xi32, #tpu.memory_space<hbm>>) target(%arg11 : memref<80xi32, #tpu.memory_space<vmem>>) target_semaphore(%arg17 : memref<!tpu.dma_semaphore, #tpu.memory_space<semaphore_mem>>)
    %dma_wait3A = arith.constant 0 : i32
    %dma_wait3A_26 = tpu.memref_slice %arg2[%dma_wait3A] : memref<320000xi32, #tpu.memory_space<hbm>> -> memref<80xi32, #tpu.memory_space<hbm>>
    %dma_wait3A_27 = arith.constant 0 : i32
    %dma_wait3A_28 = tpu.memref_slice %arg2[%dma_wait3A_27] : memref<320000xi32, #tpu.memory_space<hbm>> -> memref<80xi32, #tpu.memory_space<hbm>>
    tpu.wait_dma2 semaphore(%arg16 : memref<!tpu.dma_semaphore, #tpu.memory_space<semaphore_mem>>) src(%dma_wait3A_28 : memref<80xi32, #tpu.memory_space<hbm>>) dst(%arg8 : memref<80xi32, #tpu.memory_space<vmem>>)
    %dma_wait3A_29 = arith.constant 0 : i32
    %dma_wait3A_30 = tpu.memref_slice %arg3[%dma_wait3A_29] : memref<320000xi32, #tpu.memory_space<hbm>> -> memref<80xi32, #tpu.memory_space<hbm>>
    %dma_wait3A_31 = arith.constant 0 : i32
    %dma_wait3A_32 = tpu.memref_slice %arg3[%dma_wait3A_31] : memref<320000xi32, #tpu.memory_space<hbm>> -> memref<80xi32, #tpu.memory_space<hbm>>
    tpu.wait_dma2 semaphore(%arg16 : memref<!tpu.dma_semaphore, #tpu.memory_space<semaphore_mem>>) src(%dma_wait3A_32 : memref<80xi32, #tpu.memory_space<hbm>>) dst(%arg9 : memref<80xi32, #tpu.memory_space<vmem>>)
    %dma_start3A_33 = arith.constant 0 : i32
    %dma_start3A_34 = arith.constant 0 : i32
    %dma_start3A_35 = tpu.memref_slice %arg5[%arg0, %dma_start3A_33, %dma_start3A_34] : memref<2x10000x64xf32, #tpu.memory_space<hbm>> -> memref<1x10000x64xf32, #tpu.memory_space<hbm>>
    %dma_start3A_36 = tpu.memref_squeeze %dma_start3A_35 : memref<1x10000x64xf32, #tpu.memory_space<hbm>> -> memref<10000x64xf32, #tpu.memory_space<hbm>>
    %dma_start3A_37 = arith.constant 0 : i32
    %dma_start3A_38 = arith.constant 0 : i32
    %dma_start3A_39 = tpu.memref_slice %dma_start3A_36[%dma_start3A_37, %dma_start3A_38] : memref<10000x64xf32, #tpu.memory_space<hbm>> -> memref<10000x64xf32, #tpu.memory_space<hbm>>
    tpu.enqueue_indirect_dma source(%dma_start3A_39 : memref<10000x64xf32, #tpu.memory_space<hbm>>) target(%arg12 : memref<80x64xf32, #tpu.memory_space<vmem>>) offsets(%arg8 : memref<80xi32, #tpu.memory_space<vmem>>) semaphore(%arg18 : memref<!tpu.dma_semaphore, #tpu.memory_space<semaphore_mem>>)
    %scan3A_40 = arith.constant 0 : i32
    %scan3A_41 = arith.constant 0 : i32
    %scan3A_42 = arith.constant 125 : i32
    %scan3A_43 = arith.addi %scan3A_41, %scan3A_42 : i32
    %scan3A_44 = arith.constant 1 : i32
    scf.for %scan3A_66 = %scan3A_41 to %scan3A_43 step %scan3A_44  : i32 {
      %mul3A_67 = arith.constant 2 : i32
      %mul3A_68 = arith.muli %mul3A_67, %scan3A_66 : i32
      %dma_wait3A_69 = arith.constant 0 : i32
      %dma_wait3A_70 = arith.constant 0 : i32
      %dma_wait3A_71 = tpu.memref_slice %arg5[%arg0, %dma_wait3A_69, %dma_wait3A_70] : memref<2x10000x64xf32, #tpu.memory_space<hbm>> -> memref<1x10000x64xf32, #tpu.memory_space<hbm>>
      %dma_wait3A_72 = tpu.memref_squeeze %dma_wait3A_71 : memref<1x10000x64xf32, #tpu.memory_space<hbm>> -> memref<10000x64xf32, #tpu.memory_space<hbm>>
      %dma_wait3A_73 = arith.constant 0 : i32
      %dma_wait3A_74 = arith.constant 0 : i32
      %dma_wait3A_75 = tpu.memref_slice %dma_wait3A_72[%dma_wait3A_73, %dma_wait3A_74] : memref<10000x64xf32, #tpu.memory_space<hbm>> -> memref<10000x64xf32, #tpu.memory_space<hbm>>
      tpu.wait_indirect_dma semaphore(%arg18 : memref<!tpu.dma_semaphore, #tpu.memory_space<semaphore_mem>>) src(%dma_wait3A_75 : memref<10000x64xf32, #tpu.memory_space<hbm>>) dst(%arg12 : memref<80x64xf32, #tpu.memory_space<vmem>>)
      %dma_wait3A_76 = arith.constant 0 : i32
      %dma_wait3A_77 = tpu.memref_slice %arg2[%dma_wait3A_76] : memref<320000xi32, #tpu.memory_space<hbm>> -> memref<80xi32, #tpu.memory_space<hbm>>
      %dma_wait3A_78 = arith.constant 0 : i32
      %dma_wait3A_79 = tpu.memref_slice %arg2[%dma_wait3A_78] : memref<320000xi32, #tpu.memory_space<hbm>> -> memref<80xi32, #tpu.memory_space<hbm>>
      tpu.wait_dma2 semaphore(%arg17 : memref<!tpu.dma_semaphore, #tpu.memory_space<semaphore_mem>>) src(%dma_wait3A_79 : memref<80xi32, #tpu.memory_space<hbm>>) dst(%arg10 : memref<80xi32, #tpu.memory_space<vmem>>)
      %dma_wait3A_80 = arith.constant 0 : i32
      %dma_wait3A_81 = tpu.memref_slice %arg3[%dma_wait3A_80] : memref<320000xi32, #tpu.memory_space<hbm>> -> memref<80xi32, #tpu.memory_space<hbm>>
      %dma_wait3A_82 = arith.constant 0 : i32
      %dma_wait3A_83 = tpu.memref_slice %arg3[%dma_wait3A_82] : memref<320000xi32, #tpu.memory_space<hbm>> -> memref<80xi32, #tpu.memory_space<hbm>>
      tpu.wait_dma2 semaphore(%arg17 : memref<!tpu.dma_semaphore, #tpu.memory_space<semaphore_mem>>) src(%dma_wait3A_83 : memref<80xi32, #tpu.memory_space<hbm>>) dst(%arg11 : memref<80xi32, #tpu.memory_space<vmem>>)
      %dma_start3A_84 = arith.constant 0 : i32
      %dma_start3A_85 = arith.constant 0 : i32
      %dma_start3A_86 = tpu.memref_slice %arg5[%arg0, %dma_start3A_84, %dma_start3A_85] : memref<2x10000x64xf32, #tpu.memory_space<hbm>> -> memref<1x10000x64xf32, #tpu.memory_space<hbm>>
      %dma_start3A_87 = tpu.memref_squeeze %dma_start3A_86 : memref<1x10000x64xf32, #tpu.memory_space<hbm>> -> memref<10000x64xf32, #tpu.memory_space<hbm>>
      %dma_start3A_88 = arith.constant 0 : i32
      %dma_start3A_89 = arith.constant 0 : i32
      %dma_start3A_90 = tpu.memref_slice %dma_start3A_87[%dma_start3A_88, %dma_start3A_89] : memref<10000x64xf32, #tpu.memory_space<hbm>> -> memref<10000x64xf32, #tpu.memory_space<hbm>>
      tpu.enqueue_indirect_dma source(%dma_start3A_90 : memref<10000x64xf32, #tpu.memory_space<hbm>>) target(%arg13 : memref<80x64xf32, #tpu.memory_space<vmem>>) offsets(%arg10 : memref<80xi32, #tpu.memory_space<vmem>>) semaphore(%arg19 : memref<!tpu.dma_semaphore, #tpu.memory_space<semaphore_mem>>)
      %get3A = arith.constant 0 : index
      %get3A_91 = tpu.vector_load %arg8[%get3A] {strides = array<i32>} : memref<80xi32, #tpu.memory_space<vmem>>, vector<16xi32>,
      %get3A_92 = arith.constant 0 : index
      %get3A_93 = tpu.vector_load %arg9[%get3A_92] {strides = array<i32>} : memref<80xi32, #tpu.memory_space<vmem>>, vector<16xi32>,
      %iota3A = tpu.iota {dimensions = array<i32: 0>} : vector<16xi32>
      %add3A_94 = arith.constant 0 : i32
      %add3A_95 = vector.broadcast %add3A_94 : i32 to vector<16xi32>
      %add3A_96 = arith.addi %iota3A, %add3A_95 : vector<16xi32>
      %mul3A_97 = arith.constant 4 : i32
      %mul3A_98 = vector.broadcast %mul3A_97 : i32 to vector<16xi32>
      %mul3A_99 = arith.muli %get3A_91, %mul3A_98 : vector<16xi32>
      %add3A_100 = arith.constant 0 : i32
      %add3A_101 = vector.broadcast %add3A_100 : i32 to vector<16xi32>
      %add3A_102 = arith.addi %mul3A_99, %add3A_101 : vector<16xi32>
      %gather3A = tpu.vector_load_idx %arg7[%add3A_102] : memref<40000xf32, #tpu.memory_space<vmem>>[vector<16xi32>], vector<16xf32>,
      %mul3A_103 = arith.constant 4 : i32
      %mul3A_104 = vector.broadcast %mul3A_103 : i32 to vector<16xi32>
      %mul3A_105 = arith.muli %get3A_93, %mul3A_104 : vector<16xi32>
      %add3A_106 = arith.constant 2 : i32
      %add3A_107 = vector.broadcast %add3A_106 : i32 to vector<16xi32>
      %add3A_108 = arith.addi %mul3A_105, %add3A_107 : vector<16xi32>
      %gather3A_109 = tpu.vector_load_idx %arg7[%add3A_108] : memref<40000xf32, #tpu.memory_space<vmem>>[vector<16xi32>], vector<16xf32>,
      %add3A_110 = arith.addf %gather3A, %gather3A_109 : vector<16xf32>
      %gt3A = arith.constant 0.000000e+00 : f32
      %gt3A_111 = vector.broadcast %gt3A : f32 to vector<16xf32>
      %gt3A_112 = arith.cmpf ogt, %add3A_110, %gt3A_111 : vector<16xf32>
      %mul3A_113 = arith.constant 2.000000e-01 : f32
      %mul3A_114 = vector.broadcast %mul3A_113 : f32 to vector<16xf32>
      %mul3A_115 = arith.mulf %mul3A_114, %add3A_110 : vector<16xf32>
      %select_n3A = arith.select %gt3A_112, %add3A_110, %mul3A_115 : vector<16xi1>, vector<16xf32>
      %exp3A = math.exp %select_n3A : vector<16xf32>
      %broadcast_in_dim3A_116 = arith.constant 64 : i32
      %broadcast_in_dim3A_117 = vector.broadcast %broadcast_in_dim3A_116 : i32 to vector<16xi32>
      tpu.vector_store_idx %arg14[%add3A_96, %broadcast_in_dim3A_117], %exp3A : memref<80x80xf32, #tpu.memory_space<vmem>>[vector<16xi32>, vector<16xi32>], vector<16xf32>,
      %mul3A_118 = arith.constant 4 : i32
      %mul3A_119 = vector.broadcast %mul3A_118 : i32 to vector<16xi32>
      %mul3A_120 = arith.muli %get3A_91, %mul3A_119 : vector<16xi32>
      %add3A_121 = arith.constant 1 : i32
      %add3A_122 = vector.broadcast %add3A_121 : i32 to vector<16xi32>
      %add3A_123 = arith.addi %mul3A_120, %add3A_122 : vector<16xi32>
      %gather3A_124 = tpu.vector_load_idx %arg7[%add3A_123] : memref<40000xf32, #tpu.memory_space<vmem>>[vector<16xi32>], vector<16xf32>,
      %mul3A_125 = arith.constant 4 : i32
      %mul3A_126 = vector.broadcast %mul3A_125 : i32 to vector<16xi32>
      %mul3A_127 = arith.muli %get3A_93, %mul3A_126 : vector<16xi32>
      %add3A_128 = arith.constant 3 : i32
      %add3A_129 = vector.broadcast %add3A_128 : i32 to vector<16xi32>
      %add3A_130 = arith.addi %mul3A_127, %add3A_129 : vector<16xi32>
      %gather3A_131 = tpu.vector_load_idx %arg7[%add3A_130] : memref<40000xf32, #tpu.memory_space<vmem>>[vector<16xi32>], vector<16xf32>,
      %add3A_132 = arith.addf %gather3A_124, %gather3A_131 : vector<16xf32>
      %gt3A_133 = arith.constant 0.000000e+00 : f32
      %gt3A_134 = vector.broadcast %gt3A_133 : f32 to vector<16xf32>
      %gt3A_135 = arith.cmpf ogt, %add3A_132, %gt3A_134 : vector<16xf32>
      %mul3A_136 = arith.constant 2.000000e-01 : f32
      %mul3A_137 = vector.broadcast %mul3A_136 : f32 to vector<16xf32>
      %mul3A_138 = arith.mulf %mul3A_137, %add3A_132 : vector<16xf32>
      %select_n3A_139 = arith.select %gt3A_135, %add3A_132, %mul3A_138 : vector<16xi1>, vector<16xf32>
      %exp3A_140 = math.exp %select_n3A_139 : vector<16xf32>
      %broadcast_in_dim3A_141 = arith.constant 65 : i32
      %broadcast_in_dim3A_142 = vector.broadcast %broadcast_in_dim3A_141 : i32 to vector<16xi32>
      tpu.vector_store_idx %arg14[%add3A_96, %broadcast_in_dim3A_142], %exp3A_140 : memref<80x80xf32, #tpu.memory_space<vmem>>[vector<16xi32>, vector<16xi32>], vector<16xf32>,
      %get3A_143 = arith.constant 16 : index
      %get3A_144 = tpu.vector_load %arg8[%get3A_143] {strides = array<i32>} : memref<80xi32, #tpu.memory_space<vmem>>, vector<16xi32>,
      %get3A_145 = arith.constant 16 : index
      %get3A_146 = tpu.vector_load %arg9[%get3A_145] {strides = array<i32>} : memref<80xi32, #tpu.memory_space<vmem>>, vector<16xi32>,
      %iota3A_147 = tpu.iota {dimensions = array<i32: 0>} : vector<16xi32>
      %add3A_148 = arith.constant 16 : i32
      %add3A_149 = vector.broadcast %add3A_148 : i32 to vector<16xi32>
      %add3A_150 = arith.addi %iota3A_147, %add3A_149 : vector<16xi32>
      %mul3A_151 = arith.constant 4 : i32
      %mul3A_152 = vector.broadcast %mul3A_151 : i32 to vector<16xi32>
      %mul3A_153 = arith.muli %get3A_144, %mul3A_152 : vector<16xi32>
      %add3A_154 = arith.constant 0 : i32
      %add3A_155 = vector.broadcast %add3A_154 : i32 to vector<16xi32>
      %add3A_156 = arith.addi %mul3A_153, %add3A_155 : vector<16xi32>
      %gather3A_157 = tpu.vector_load_idx %arg7[%add3A_156] : memref<40000xf32, #tpu.memory_space<vmem>>[vector<16xi32>], vector<16xf32>,
      %mul3A_158 = arith.constant 4 : i32
      %mul3A_159 = vector.broadcast %mul3A_158 : i32 to vector<16xi32>
      %mul3A_160 = arith.muli %get3A_146, %mul3A_159 : vector<16xi32>
      %add3A_161 = arith.constant 2 : i32
      %add3A_162 = vector.broadcast %add3A_161 : i32 to vector<16xi32>
      %add3A_163 = arith.addi %mul3A_160, %add3A_162 : vector<16xi32>
      %gather3A_164 = tpu.vector_load_idx %arg7[%add3A_163] : memref<40000xf32, #tpu.memory_space<vmem>>[vector<16xi32>], vector<16xf32>,
      %add3A_165 = arith.addf %gather3A_157, %gather3A_164 : vector<16xf32>
      %gt3A_166 = arith.constant 0.000000e+00 : f32
      %gt3A_167 = vector.broadcast %gt3A_166 : f32 to vector<16xf32>
      %gt3A_168 = arith.cmpf ogt, %add3A_165, %gt3A_167 : vector<16xf32>
      %mul3A_169 = arith.constant 2.000000e-01 : f32
      %mul3A_170 = vector.broadcast %mul3A_169 : f32 to vector<16xf32>
      %mul3A_171 = arith.mulf %mul3A_170, %add3A_165 : vector<16xf32>
      %select_n3A_172 = arith.select %gt3A_168, %add3A_165, %mul3A_171 : vector<16xi1>, vector<16xf32>
      %exp3A_173 = math.exp %select_n3A_172 : vector<16xf32>
      %broadcast_in_dim3A_174 = arith.constant 64 : i32
      %broadcast_in_dim3A_175 = vector.broadcast %broadcast_in_dim3A_174 : i32 to vector<16xi32>
      tpu.vector_store_idx %arg14[%add3A_150, %broadcast_in_dim3A_175], %exp3A_173 : memref<80x80xf32, #tpu.memory_space<vmem>>[vector<16xi32>, vector<16xi32>], vector<16xf32>,
      %mul3A_176 = arith.constant 4 : i32
      %mul3A_177 = vector.broadcast %mul3A_176 : i32 to vector<16xi32>
      %mul3A_178 = arith.muli %get3A_144, %mul3A_177 : vector<16xi32>
      %add3A_179 = arith.constant 1 : i32
      %add3A_180 = vector.broadcast %add3A_179 : i32 to vector<16xi32>
      %add3A_181 = arith.addi %mul3A_178, %add3A_180 : vector<16xi32>
      %gather3A_182 = tpu.vector_load_idx %arg7[%add3A_181] : memref<40000xf32, #tpu.memory_space<vmem>>[vector<16xi32>], vector<16xf32>,
      %mul3A_183 = arith.constant 4 : i32
      %mul3A_184 = vector.broadcast %mul3A_183 : i32 to vector<16xi32>
      %mul3A_185 = arith.muli %get3A_146, %mul3A_184 : vector<16xi32>
      %add3A_186 = arith.constant 3 : i32
      %add3A_187 = vector.broadcast %add3A_186 : i32 to vector<16xi32>
      %add3A_188 = arith.addi %mul3A_185, %add3A_187 : vector<16xi32>
      %gather3A_189 = tpu.vector_load_idx %arg7[%add3A_188] : memref<40000xf32, #tpu.memory_space<vmem>>[vector<16xi32>], vector<16xf32>,
      %add3A_190 = arith.addf %gather3A_182, %gather3A_189 : vector<16xf32>
      %gt3A_191 = arith.constant 0.000000e+00 : f32
      %gt3A_192 = vector.broadcast %gt3A_191 : f32 to vector<16xf32>
      %gt3A_193 = arith.cmpf ogt, %add3A_190, %gt3A_192 : vector<16xf32>
      %mul3A_194 = arith.constant 2.000000e-01 : f32
      %mul3A_195 = vector.broadcast %mul3A_194 : f32 to vector<16xf32>
      %mul3A_196 = arith.mulf %mul3A_195, %add3A_190 : vector<16xf32>
      %select_n3A_197 = arith.select %gt3A_193, %add3A_190, %mul3A_196 : vector<16xi1>, vector<16xf32>
      %exp3A_198 = math.exp %select_n3A_197 : vector<16xf32>
      %broadcast_in_dim3A_199 = arith.constant 65 : i32
      %broadcast_in_dim3A_200 = vector.broadcast %broadcast_in_dim3A_199 : i32 to vector<16xi32>
      tpu.vector_store_idx %arg14[%add3A_150, %broadcast_in_dim3A_200], %exp3A_198 : memref<80x80xf32, #tpu.memory_space<vmem>>[vector<16xi32>, vector<16xi32>], vector<16xf32>,
      %get3A_201 = arith.constant 32 : index
      %get3A_202 = tpu.vector_load %arg8[%get3A_201] {strides = array<i32>} : memref<80xi32, #tpu.memory_space<vmem>>, vector<16xi32>,
      %get3A_203 = arith.constant 32 : index
      %get3A_204 = tpu.vector_load %arg9[%get3A_203] {strides = array<i32>} : memref<80xi32, #tpu.memory_space<vmem>>, vector<16xi32>,
      %iota3A_205 = tpu.iota {dimensions = array<i32: 0>} : vector<16xi32>
      %add3A_206 = arith.constant 32 : i32
      %add3A_207 = vector.broadcast %add3A_206 : i32 to vector<16xi32>
      %add3A_208 = arith.addi %iota3A_205, %add3A_207 : vector<16xi32>
      %mul3A_209 = arith.constant 4 : i32
      %mul3A_210 = vector.broadcast %mul3A_209 : i32 to vector<16xi32>
      %mul3A_211 = arith.muli %get3A_202, %mul3A_210 : vector<16xi32>
      %add3A_212 = arith.constant 0 : i32
      %add3A_213 = vector.broadcast %add3A_212 : i32 to vector<16xi32>
      %add3A_214 = arith.addi %mul3A_211, %add3A_213 : vector<16xi32>
      %gather3A_215 = tpu.vector_load_idx %arg7[%add3A_214] : memref<40000xf32, #tpu.memory_space<vmem>>[vector<16xi32>], vector<16xf32>,
      %mul3A_216 = arith.constant 4 : i32
      %mul3A_217 = vector.broadcast %mul3A_216 : i32 to vector<16xi32>
      %mul3A_218 = arith.muli %get3A_204, %mul3A_217 : vector<16xi32>
      %add3A_219 = arith.constant 2 : i32
      %add3A_220 = vector.broadcast %add3A_219 : i32 to vector<16xi32>
      %add3A_221 = arith.addi %mul3A_218, %add3A_220 : vector<16xi32>
      %gather3A_222 = tpu.vector_load_idx %arg7[%add3A_221] : memref<40000xf32, #tpu.memory_space<vmem>>[vector<16xi32>], vector<16xf32>,
      %add3A_223 = arith.addf %gather3A_215, %gather3A_222 : vector<16xf32>
      %gt3A_224 = arith.constant 0.000000e+00 : f32
      %gt3A_225 = vector.broadcast %gt3A_224 : f32 to vector<16xf32>
      %gt3A_226 = arith.cmpf ogt, %add3A_223, %gt3A_225 : vector<16xf32>
      %mul3A_227 = arith.constant 2.000000e-01 : f32
      %mul3A_228 = vector.broadcast %mul3A_227 : f32 to vector<16xf32>
      %mul3A_229 = arith.mulf %mul3A_228, %add3A_223 : vector<16xf32>
      %select_n3A_230 = arith.select %gt3A_226, %add3A_223, %mul3A_229 : vector<16xi1>, vector<16xf32>
      %exp3A_231 = math.exp %select_n3A_230 : vector<16xf32>
      %broadcast_in_dim3A_232 = arith.constant 64 : i32
      %broadcast_in_dim3A_233 = vector.broadcast %broadcast_in_dim3A_232 : i32 to vector<16xi32>
      tpu.vector_store_idx %arg14[%add3A_208, %broadcast_in_dim3A_233], %exp3A_231 : memref<80x80xf32, #tpu.memory_space<vmem>>[vector<16xi32>, vector<16xi32>], vector<16xf32>,
      %mul3A_234 = arith.constant 4 : i32
      %mul3A_235 = vector.broadcast %mul3A_234 : i32 to vector<16xi32>
      %mul3A_236 = arith.muli %get3A_202, %mul3A_235 : vector<16xi32>
      %add3A_237 = arith.constant 1 : i32
      %add3A_238 = vector.broadcast %add3A_237 : i32 to vector<16xi32>
      %add3A_239 = arith.addi %mul3A_236, %add3A_238 : vector<16xi32>
      %gather3A_240 = tpu.vector_load_idx %arg7[%add3A_239] : memref<40000xf32, #tpu.memory_space<vmem>>[vector<16xi32>], vector<16xf32>,
      %mul3A_241 = arith.constant 4 : i32
      %mul3A_242 = vector.broadcast %mul3A_241 : i32 to vector<16xi32>
      %mul3A_243 = arith.muli %get3A_204, %mul3A_242 : vector<16xi32>
      %add3A_244 = arith.constant 3 : i32
      %add3A_245 = vector.broadcast %add3A_244 : i32 to vector<16xi32>
      %add3A_246 = arith.addi %mul3A_243, %add3A_245 : vector<16xi32>
      %gather3A_247 = tpu.vector_load_idx %arg7[%add3A_246] : memref<40000xf32, #tpu.memory_space<vmem>>[vector<16xi32>], vector<16xf32>,
      %add3A_248 = arith.addf %gather3A_240, %gather3A_247 : vector<16xf32>
      %gt3A_249 = arith.constant 0.000000e+00 : f32
      %gt3A_250 = vector.broadcast %gt3A_249 : f32 to vector<16xf32>
      %gt3A_251 = arith.cmpf ogt, %add3A_248, %gt3A_250 : vector<16xf32>
      %mul3A_252 = arith.constant 2.000000e-01 : f32
      %mul3A_253 = vector.broadcast %mul3A_252 : f32 to vector<16xf32>
      %mul3A_254 = arith.mulf %mul3A_253, %add3A_248 : vector<16xf32>
      %select_n3A_255 = arith.select %gt3A_251, %add3A_248, %mul3A_254 : vector<16xi1>, vector<16xf32>
      %exp3A_256 = math.exp %select_n3A_255 : vector<16xf32>
      %broadcast_in_dim3A_257 = arith.constant 65 : i32
      %broadcast_in_dim3A_258 = vector.broadcast %broadcast_in_dim3A_257 : i32 to vector<16xi32>
      tpu.vector_store_idx %arg14[%add3A_208, %broadcast_in_dim3A_258], %exp3A_256 : memref<80x80xf32, #tpu.memory_space<vmem>>[vector<16xi32>, vector<16xi32>], vector<16xf32>,
      %get3A_259 = arith.constant 48 : index
      %get3A_260 = tpu.vector_load %arg8[%get3A_259] {strides = array<i32>} : memref<80xi32, #tpu.memory_space<vmem>>, vector<16xi32>,
      %get3A_261 = arith.constant 48 : index
      %get3A_262 = tpu.vector_load %arg9[%get3A_261] {strides = array<i32>} : memref<80xi32, #tpu.memory_space<vmem>>, vector<16xi32>,
      %iota3A_263 = tpu.iota {dimensions = array<i32: 0>} : vector<16xi32>
      %add3A_264 = arith.constant 48 : i32
      %add3A_265 = vector.broadcast %add3A_264 : i32 to vector<16xi32>
      %add3A_266 = arith.addi %iota3A_263, %add3A_265 : vector<16xi32>
      %mul3A_267 = arith.constant 4 : i32
      %mul3A_268 = vector.broadcast %mul3A_267 : i32 to vector<16xi32>
      %mul3A_269 = arith.muli %get3A_260, %mul3A_268 : vector<16xi32>
      %add3A_270 = arith.constant 0 : i32
      %add3A_271 = vector.broadcast %add3A_270 : i32 to vector<16xi32>
      %add3A_272 = arith.addi %mul3A_269, %add3A_271 : vector<16xi32>
      %gather3A_273 = tpu.vector_load_idx %arg7[%add3A_272] : memref<40000xf32, #tpu.memory_space<vmem>>[vector<16xi32>], vector<16xf32>,
      %mul3A_274 = arith.constant 4 : i32
      %mul3A_275 = vector.broadcast %mul3A_274 : i32 to vector<16xi32>
      %mul3A_276 = arith.muli %get3A_262, %mul3A_275 : vector<16xi32>
      %add3A_277 = arith.constant 2 : i32
      %add3A_278 = vector.broadcast %add3A_277 : i32 to vector<16xi32>
      %add3A_279 = arith.addi %mul3A_276, %add3A_278 : vector<16xi32>
      %gather3A_280 = tpu.vector_load_idx %arg7[%add3A_279] : memref<40000xf32, #tpu.memory_space<vmem>>[vector<16xi32>], vector<16xf32>,
      %add3A_281 = arith.addf %gather3A_273, %gather3A_280 : vector<16xf32>
      %gt3A_282 = arith.constant 0.000000e+00 : f32
      %gt3A_283 = vector.broadcast %gt3A_282 : f32 to vector<16xf32>
      %gt3A_284 = arith.cmpf ogt, %add3A_281, %gt3A_283 : vector<16xf32>
      %mul3A_285 = arith.constant 2.000000e-01 : f32
      %mul3A_286 = vector.broadcast %mul3A_285 : f32 to vector<16xf32>
      %mul3A_287 = arith.mulf %mul3A_286, %add3A_281 : vector<16xf32>
      %select_n3A_288 = arith.select %gt3A_284, %add3A_281, %mul3A_287 : vector<16xi1>, vector<16xf32>
      %exp3A_289 = math.exp %select_n3A_288 : vector<16xf32>
      %broadcast_in_dim3A_290 = arith.constant 64 : i32
      %broadcast_in_dim3A_291 = vector.broadcast %broadcast_in_dim3A_290 : i32 to vector<16xi32>
      tpu.vector_store_idx %arg14[%add3A_266, %broadcast_in_dim3A_291], %exp3A_289 : memref<80x80xf32, #tpu.memory_space<vmem>>[vector<16xi32>, vector<16xi32>], vector<16xf32>,
      %mul3A_292 = arith.constant 4 : i32
      %mul3A_293 = vector.broadcast %mul3A_292 : i32 to vector<16xi32>
      %mul3A_294 = arith.muli %get3A_260, %mul3A_293 : vector<16xi32>
      %add3A_295 = arith.constant 1 : i32
      %add3A_296 = vector.broadcast %add3A_295 : i32 to vector<16xi32>
      %add3A_297 = arith.addi %mul3A_294, %add3A_296 : vector<16xi32>
      %gather3A_298 = tpu.vector_load_idx %arg7[%add3A_297] : memref<40000xf32, #tpu.memory_space<vmem>>[vector<16xi32>], vector<16xf32>,
      %mul3A_299 = arith.constant 4 : i32
      %mul3A_300 = vector.broadcast %mul3A_299 : i32 to vector<16xi32>
      %mul3A_301 = arith.muli %get3A_262, %mul3A_300 : vector<16xi32>
      %add3A_302 = arith.constant 3 : i32
      %add3A_303 = vector.broadcast %add3A_302 : i32 to vector<16xi32>
      %add3A_304 = arith.addi %mul3A_301, %add3A_303 : vector<16xi32>
      %gather3A_305 = tpu.vector_load_idx %arg7[%add3A_304] : memref<40000xf32, #tpu.memory_space<vmem>>[vector<16xi32>], vector<16xf32>,
      %add3A_306 = arith.addf %gather3A_298, %gather3A_305 : vector<16xf32>
      %gt3A_307 = arith.constant 0.000000e+00 : f32
      %gt3A_308 = vector.broadcast %gt3A_307 : f32 to vector<16xf32>
      %gt3A_309 = arith.cmpf ogt, %add3A_306, %gt3A_308 : vector<16xf32>
      %mul3A_310 = arith.constant 2.000000e-01 : f32
      %mul3A_311 = vector.broadcast %mul3A_310 : f32 to vector<16xf32>
      %mul3A_312 = arith.mulf %mul3A_311, %add3A_306 : vector<16xf32>
      %select_n3A_313 = arith.select %gt3A_309, %add3A_306, %mul3A_312 : vector<16xi1>, vector<16xf32>
      %exp3A_314 = math.exp %select_n3A_313 : vector<16xf32>
      %broadcast_in_dim3A_315 = arith.constant 65 : i32
      %broadcast_in_dim3A_316 = vector.broadcast %broadcast_in_dim3A_315 : i32 to vector<16xi32>
      tpu.vector_store_idx %arg14[%add3A_266, %broadcast_in_dim3A_316], %exp3A_314 : memref<80x80xf32, #tpu.memory_space<vmem>>[vector<16xi32>, vector<16xi32>], vector<16xf32>,
      %get3A_317 = arith.constant 64 : index
      %get3A_318 = tpu.vector_load %arg8[%get3A_317] {strides = array<i32>} : memref<80xi32, #tpu.memory_space<vmem>>, vector<16xi32>,
      %get3A_319 = arith.constant 64 : index
      %get3A_320 = tpu.vector_load %arg9[%get3A_319] {strides = array<i32>} : memref<80xi32, #tpu.memory_space<vmem>>, vector<16xi32>,
      %iota3A_321 = tpu.iota {dimensions = array<i32: 0>} : vector<16xi32>
      %add3A_322 = arith.constant 64 : i32
      %add3A_323 = vector.broadcast %add3A_322 : i32 to vector<16xi32>
      %add3A_324 = arith.addi %iota3A_321, %add3A_323 : vector<16xi32>
      %mul3A_325 = arith.constant 4 : i32
      %mul3A_326 = vector.broadcast %mul3A_325 : i32 to vector<16xi32>
      %mul3A_327 = arith.muli %get3A_318, %mul3A_326 : vector<16xi32>
      %add3A_328 = arith.constant 0 : i32
      %add3A_329 = vector.broadcast %add3A_328 : i32 to vector<16xi32>
      %add3A_330 = arith.addi %mul3A_327, %add3A_329 : vector<16xi32>
      %gather3A_331 = tpu.vector_load_idx %arg7[%add3A_330] : memref<40000xf32, #tpu.memory_space<vmem>>[vector<16xi32>], vector<16xf32>,
      %mul3A_332 = arith.constant 4 : i32
      %mul3A_333 = vector.broadcast %mul3A_332 : i32 to vector<16xi32>
      %mul3A_334 = arith.muli %get3A_320, %mul3A_333 : vector<16xi32>
      %add3A_335 = arith.constant 2 : i32
      %add3A_336 = vector.broadcast %add3A_335 : i32 to vector<16xi32>
      %add3A_337 = arith.addi %mul3A_334, %add3A_336 : vector<16xi32>
      %gather3A_338 = tpu.vector_load_idx %arg7[%add3A_337] : memref<40000xf32, #tpu.memory_space<vmem>>[vector<16xi32>], vector<16xf32>,
      %add3A_339 = arith.addf %gather3A_331, %gather3A_338 : vector<16xf32>
      %gt3A_340 = arith.constant 0.000000e+00 : f32
      %gt3A_341 = vector.broadcast %gt3A_340 : f32 to vector<16xf32>
      %gt3A_342 = arith.cmpf ogt, %add3A_339, %gt3A_341 : vector<16xf32>
      %mul3A_343 = arith.constant 2.000000e-01 : f32
      %mul3A_344 = vector.broadcast %mul3A_343 : f32 to vector<16xf32>
      %mul3A_345 = arith.mulf %mul3A_344, %add3A_339 : vector<16xf32>
      %select_n3A_346 = arith.select %gt3A_342, %add3A_339, %mul3A_345 : vector<16xi1>, vector<16xf32>
      %exp3A_347 = math.exp %select_n3A_346 : vector<16xf32>
      %broadcast_in_dim3A_348 = arith.constant 64 : i32
      %broadcast_in_dim3A_349 = vector.broadcast %broadcast_in_dim3A_348 : i32 to vector<16xi32>
      tpu.vector_store_idx %arg14[%add3A_324, %broadcast_in_dim3A_349], %exp3A_347 : memref<80x80xf32, #tpu.memory_space<vmem>>[vector<16xi32>, vector<16xi32>], vector<16xf32>,
      %mul3A_350 = arith.constant 4 : i32
      %mul3A_351 = vector.broadcast %mul3A_350 : i32 to vector<16xi32>
      %mul3A_352 = arith.muli %get3A_318, %mul3A_351 : vector<16xi32>
      %add3A_353 = arith.constant 1 : i32
      %add3A_354 = vector.broadcast %add3A_353 : i32 to vector<16xi32>
      %add3A_355 = arith.addi %mul3A_352, %add3A_354 : vector<16xi32>
      %gather3A_356 = tpu.vector_load_idx %arg7[%add3A_355] : memref<40000xf32, #tpu.memory_space<vmem>>[vector<16xi32>], vector<16xf32>,
      %mul3A_357 = arith.constant 4 : i32
      %mul3A_358 = vector.broadcast %mul3A_357 : i32 to vector<16xi32>
      %mul3A_359 = arith.muli %get3A_320, %mul3A_358 : vector<16xi32>
      %add3A_360 = arith.constant 3 : i32
      %add3A_361 = vector.broadcast %add3A_360 : i32 to vector<16xi32>
      %add3A_362 = arith.addi %mul3A_359, %add3A_361 : vector<16xi32>
      %gather3A_363 = tpu.vector_load_idx %arg7[%add3A_362] : memref<40000xf32, #tpu.memory_space<vmem>>[vector<16xi32>], vector<16xf32>,
      %add3A_364 = arith.addf %gather3A_356, %gather3A_363 : vector<16xf32>
      %gt3A_365 = arith.constant 0.000000e+00 : f32
      %gt3A_366 = vector.broadcast %gt3A_365 : f32 to vector<16xf32>
      %gt3A_367 = arith.cmpf ogt, %add3A_364, %gt3A_366 : vector<16xf32>
      %mul3A_368 = arith.constant 2.000000e-01 : f32
      %mul3A_369 = vector.broadcast %mul3A_368 : f32 to vector<16xf32>
      %mul3A_370 = arith.mulf %mul3A_369, %add3A_364 : vector<16xf32>
      %select_n3A_371 = arith.select %gt3A_367, %add3A_364, %mul3A_370 : vector<16xi1>, vector<16xf32>
      %exp3A_372 = math.exp %select_n3A_371 : vector<16xf32>
      %broadcast_in_dim3A_373 = arith.constant 65 : i32
      %broadcast_in_dim3A_374 = vector.broadcast %broadcast_in_dim3A_373 : i32 to vector<16xi32>
      tpu.vector_store_idx %arg14[%add3A_324, %broadcast_in_dim3A_374], %exp3A_372 : memref<80x80xf32, #tpu.memory_space<vmem>>[vector<16xi32>, vector<16xi32>], vector<16xf32>,
      %scan3A_375 = arith.constant 0 : i32
      %scan3A_376 = arith.constant 0 : i32
      %scan3A_377 = arith.constant 80 : i32
      %scan3A_378 = arith.addi %scan3A_376, %scan3A_377 : i32
      %scan3A_379 = arith.constant 1 : i32
      scf.for %scan3A_721 = %scan3A_376 to %scan3A_378 step %scan3A_379  : i32 {
        %get3A_722 = arith.index_cast %scan3A_721 : i32 to index
        %get3A_723 = arith.constant 64 : index
        %get3A_724 = tpu.vector_load %arg14[%get3A_722, %get3A_723] {strides = array<i32>} : memref<80x80xf32, #tpu.memory_space<vmem>>, vector<16xf32>,
        %get3A_725 = arith.index_cast %scan3A_721 : i32 to index
        %get3A_726 = arith.constant 0 : index
        %get3A_727 = tpu.vector_load %arg12[%get3A_725, %get3A_726] {strides = array<i32>} : memref<80x64xf32, #tpu.memory_space<vmem>>, vector<16xf32>,
        %slice3A = vector.extract_strided_slice %get3A_724 {offsets = [0], sizes = [1], strides = [1]} : vector<16xf32> to vector<1xf32>
        %squeeze3A = vector.extract %slice3A[0] : f32 from vector<1xf32>
        %mul3A_728 = vector.broadcast %squeeze3A : f32 to vector<16xf32>
        %mul3A_729 = arith.mulf %get3A_727, %mul3A_728 : vector<16xf32>
        %swap3A = arith.index_cast %scan3A_721 : i32 to index
        %swap3A_730 = arith.constant 0 : index
        %swap3A_731 = tpu.vector_load %arg14[%swap3A, %swap3A_730] {strides = array<i32>} : memref<80x80xf32, #tpu.memory_space<vmem>>, vector<16xf32>,
        tpu.vector_store %arg14[%swap3A, %swap3A_730], %mul3A_729 {strides = array<i32>} : memref<80x80xf32, #tpu.memory_space<vmem>>, vector<16xf32>,
        %get3A_732 = arith.index_cast %scan3A_721 : i32 to index
        %get3A_733 = arith.constant 16 : index
        %get3A_734 = tpu.vector_load %arg12[%get3A_732, %get3A_733] {strides = array<i32>} : memref<80x64xf32, #tpu.memory_space<vmem>>, vector<16xf32>,
        %slice3A_735 = vector.extract_strided_slice %get3A_724 {offsets = [0], sizes = [1], strides = [1]} : vector<16xf32> to vector<1xf32>
        %squeeze3A_736 = vector.extract %slice3A_735[0] : f32 from vector<1xf32>
        %mul3A_737 = vector.broadcast %squeeze3A_736 : f32 to vector<16xf32>
        %mul3A_738 = arith.mulf %get3A_734, %mul3A_737 : vector<16xf32>
        %swap3A_739 = arith.index_cast %scan3A_721 : i32 to index
        %swap3A_740 = arith.constant 16 : index
        %swap3A_741 = tpu.vector_load %arg14[%swap3A_739, %swap3A_740] {strides = array<i32>} : memref<80x80xf32, #tpu.memory_space<vmem>>, vector<16xf32>,
        tpu.vector_store %arg14[%swap3A_739, %swap3A_740], %mul3A_738 {strides = array<i32>} : memref<80x80xf32, #tpu.memory_space<vmem>>, vector<16xf32>,
        %get3A_742 = arith.index_cast %scan3A_721 : i32 to index
        %get3A_743 = arith.constant 32 : index
        %get3A_744 = tpu.vector_load %arg12[%get3A_742, %get3A_743] {strides = array<i32>} : memref<80x64xf32, #tpu.memory_space<vmem>>, vector<16xf32>,
        %slice3A_745 = vector.extract_strided_slice %get3A_724 {offsets = [1], sizes = [1], strides = [1]} : vector<16xf32> to vector<1xf32>
        %squeeze3A_746 = vector.extract %slice3A_745[0] : f32 from vector<1xf32>
        %mul3A_747 = vector.broadcast %squeeze3A_746 : f32 to vector<16xf32>
        %mul3A_748 = arith.mulf %get3A_744, %mul3A_747 : vector<16xf32>
        %swap3A_749 = arith.index_cast %scan3A_721 : i32 to index
        %swap3A_750 = arith.constant 32 : index
        %swap3A_751 = tpu.vector_load %arg14[%swap3A_749, %swap3A_750] {strides = array<i32>} : memref<80x80xf32, #tpu.memory_space<vmem>>, vector<16xf32>,
        tpu.vector_store %arg14[%swap3A_749, %swap3A_750], %mul3A_748 {strides = array<i32>} : memref<80x80xf32, #tpu.memory_space<vmem>>, vector<16xf32>,
        %get3A_752 = arith.index_cast %scan3A_721 : i32 to index
        %get3A_753 = arith.constant 48 : index
        %get3A_754 = tpu.vector_load %arg12[%get3A_752, %get3A_753] {strides = array<i32>} : memref<80x64xf32, #tpu.memory_space<vmem>>, vector<16xf32>,
        %slice3A_755 = vector.extract_strided_slice %get3A_724 {offsets = [1], sizes = [1], strides = [1]} : vector<16xf32> to vector<1xf32>
        %squeeze3A_756 = vector.extract %slice3A_755[0] : f32 from vector<1xf32>
        %mul3A_757 = vector.broadcast %squeeze3A_756 : f32 to vector<16xf32>
        %mul3A_758 = arith.mulf %get3A_754, %mul3A_757 : vector<16xf32>
        %swap3A_759 = arith.index_cast %scan3A_721 : i32 to index
        %swap3A_760 = arith.constant 48 : index
        %swap3A_761 = tpu.vector_load %arg14[%swap3A_759, %swap3A_760] {strides = array<i32>} : memref<80x80xf32, #tpu.memory_space<vmem>>, vector<16xf32>,
        tpu.vector_store %arg14[%swap3A_759, %swap3A_760], %mul3A_758 {strides = array<i32>} : memref<80x80xf32, #tpu.memory_space<vmem>>, vector<16xf32>,
      }
      %scan3A_380 = arith.constant 80 : i32
      "tpu.region"() ({
        %run_scoped3A = tpu.sem_alloc : memref<!tpu.dma_semaphore, #tpu.memory_space<semaphore_mem>>
        %dma_start3A_721 = arith.constant 0 : i32
        %dma_start3A_722 = arith.constant 0 : i32
        %dma_start3A_723 = tpu.memref_slice %arg15[%dma_start3A_721, %dma_start3A_722] : memref<10240x80xf32, #tpu.memory_space<vmem_shared>> -> memref<10240x80xf32, #tpu.memory_space<vmem_shared>>
        tpu.enqueue_indirect_dma source(%arg14 : memref<80x80xf32, #tpu.memory_space<vmem>>) target(%dma_start3A_723 : memref<10240x80xf32, #tpu.memory_space<vmem_shared>>) offsets(%arg9 : memref<80xi32, #tpu.memory_space<vmem>>) semaphore(%run_scoped3A : memref<!tpu.dma_semaphore, #tpu.memory_space<semaphore_mem>>) {add = true}
        %dma_wait3A_724 = arith.constant 0 : i32
        %dma_wait3A_725 = arith.constant 0 : i32
        %dma_wait3A_726 = tpu.memref_slice %arg15[%dma_wait3A_724, %dma_wait3A_725] : memref<10240x80xf32, #tpu.memory_space<vmem_shared>> -> memref<10240x80xf32, #tpu.memory_space<vmem_shared>>
        tpu.wait_indirect_dma semaphore(%run_scoped3A : memref<!tpu.dma_semaphore, #tpu.memory_space<semaphore_mem>>) src(%arg14 : memref<80x80xf32, #tpu.memory_space<vmem>>) dst(%dma_wait3A_726 : memref<10240x80xf32, #tpu.memory_space<vmem_shared>>)
        tpu.yield
      }) : () -> ()
      %add3A_381 = arith.constant 2 : i32
      %add3A_382 = arith.addi %mul3A_68, %add3A_381 : i32
      %mul3A_383 = arith.constant 80 : i32
      %mul3A_384 = arith.muli %add3A_382, %mul3A_383 : i32
      %add3A_385 = arith.addi %mul3A_12, %mul3A_384 : i32
      %min3A_386 = arith.constant 319920 : i32
      %min3A_387 = arith.minsi %add3A_385, %min3A_386 : i32
      %dma_start3A_388 = tpu.memref_slice %arg2[%min3A_387] : memref<320000xi32, #tpu.memory_space<hbm>> -> memref<80xi32, #tpu.memory_space<hbm>>
      %dma_start3A_389 = tpu.memref_slice %arg2[%min3A_387] : memref<320000xi32, #tpu.memory_space<hbm>> -> memref<80xi32, #tpu.memory_space<hbm>>
      tpu.enqueue_dma source(%dma_start3A_389 : memref<80xi32, #tpu.memory_space<hbm>>) target(%arg8 : memref<80xi32, #tpu.memory_space<vmem>>) target_semaphore(%arg16 : memref<!tpu.dma_semaphore, #tpu.memory_space<semaphore_mem>>)
      %dma_start3A_390 = tpu.memref_slice %arg3[%min3A_387] : memref<320000xi32, #tpu.memory_space<hbm>> -> memref<80xi32, #tpu.memory_space<hbm>>
      %dma_start3A_391 = tpu.memref_slice %arg3[%min3A_387] : memref<320000xi32, #tpu.memory_space<hbm>> -> memref<80xi32, #tpu.memory_space<hbm>>
      tpu.enqueue_dma source(%dma_start3A_391 : memref<80xi32, #tpu.memory_space<hbm>>) target(%arg9 : memref<80xi32, #tpu.memory_space<vmem>>) target_semaphore(%arg16 : memref<!tpu.dma_semaphore, #tpu.memory_space<semaphore_mem>>)
      %dma_wait3A_392 = arith.constant 0 : i32
      %dma_wait3A_393 = arith.constant 0 : i32
      %dma_wait3A_394 = tpu.memref_slice %arg5[%arg0, %dma_wait3A_392, %dma_wait3A_393] : memref<2x10000x64xf32, #tpu.memory_space<hbm>> -> memref<1x10000x64xf32, #tpu.memory_space<hbm>>
      %dma_wait3A_395 = tpu.memref_squeeze %dma_wait3A_394 : memref<1x10000x64xf32, #tpu.memory_space<hbm>> -> memref<10000x64xf32, #tpu.memory_space<hbm>>
      %dma_wait3A_396 = arith.constant 0 : i32
      %dma_wait3A_397 = arith.constant 0 : i32
      %dma_wait3A_398 = tpu.memref_slice %dma_wait3A_395[%dma_wait3A_396, %dma_wait3A_397] : memref<10000x64xf32, #tpu.memory_space<hbm>> -> memref<10000x64xf32, #tpu.memory_space<hbm>>
      tpu.wait_indirect_dma semaphore(%arg19 : memref<!tpu.dma_semaphore, #tpu.memory_space<semaphore_mem>>) src(%dma_wait3A_398 : memref<10000x64xf32, #tpu.memory_space<hbm>>) dst(%arg13 : memref<80x64xf32, #tpu.memory_space<vmem>>)
      %get3A_399 = arith.constant 0 : index
      %get3A_400 = tpu.vector_load %arg10[%get3A_399] {strides = array<i32>} : memref<80xi32, #tpu.memory_space<vmem>>, vector<16xi32>,
      %get3A_401 = arith.constant 0 : index
      %get3A_402 = tpu.vector_load %arg11[%get3A_401] {strides = array<i32>} : memref<80xi32, #tpu.memory_space<vmem>>, vector<16xi32>,
      %iota3A_403 = tpu.iota {dimensions = array<i32: 0>} : vector<16xi32>
      %add3A_404 = arith.constant 0 : i32
      %add3A_405 = vector.broadcast %add3A_404 : i32 to vector<16xi32>
      %add3A_406 = arith.addi %iota3A_403, %add3A_405 : vector<16xi32>
      %mul3A_407 = arith.constant 4 : i32
      %mul3A_408 = vector.broadcast %mul3A_407 : i32 to vector<16xi32>
      %mul3A_409 = arith.muli %get3A_400, %mul3A_408 : vector<16xi32>
      %add3A_410 = arith.constant 0 : i32
      %add3A_411 = vector.broadcast %add3A_410 : i32 to vector<16xi32>
      %add3A_412 = arith.addi %mul3A_409, %add3A_411 : vector<16xi32>
      %gather3A_413 = tpu.vector_load_idx %arg7[%add3A_412] : memref<40000xf32, #tpu.memory_space<vmem>>[vector<16xi32>], vector<16xf32>,
      %mul3A_414 = arith.constant 4 : i32
      %mul3A_415 = vector.broadcast %mul3A_414 : i32 to vector<16xi32>
      %mul3A_416 = arith.muli %get3A_402, %mul3A_415 : vector<16xi32>
      %add3A_417 = arith.constant 2 : i32
      %add3A_418 = vector.broadcast %add3A_417 : i32 to vector<16xi32>
      %add3A_419 = arith.addi %mul3A_416, %add3A_418 : vector<16xi32>
      %gather3A_420 = tpu.vector_load_idx %arg7[%add3A_419] : memref<40000xf32, #tpu.memory_space<vmem>>[vector<16xi32>], vector<16xf32>,
      %add3A_421 = arith.addf %gather3A_413, %gather3A_420 : vector<16xf32>
      %gt3A_422 = arith.constant 0.000000e+00 : f32
      %gt3A_423 = vector.broadcast %gt3A_422 : f32 to vector<16xf32>
      %gt3A_424 = arith.cmpf ogt, %add3A_421, %gt3A_423 : vector<16xf32>
      %mul3A_425 = arith.constant 2.000000e-01 : f32
      %mul3A_426 = vector.broadcast %mul3A_425 : f32 to vector<16xf32>
      %mul3A_427 = arith.mulf %mul3A_426, %add3A_421 : vector<16xf32>
      %select_n3A_428 = arith.select %gt3A_424, %add3A_421, %mul3A_427 : vector<16xi1>, vector<16xf32>
      %exp3A_429 = math.exp %select_n3A_428 : vector<16xf32>
      %broadcast_in_dim3A_430 = arith.constant 64 : i32
      %broadcast_in_dim3A_431 = vector.broadcast %broadcast_in_dim3A_430 : i32 to vector<16xi32>
      tpu.vector_store_idx %arg14[%add3A_406, %broadcast_in_dim3A_431], %exp3A_429 : memref<80x80xf32, #tpu.memory_space<vmem>>[vector<16xi32>, vector<16xi32>], vector<16xf32>,
      %mul3A_432 = arith.constant 4 : i32
      %mul3A_433 = vector.broadcast %mul3A_432 : i32 to vector<16xi32>
      %mul3A_434 = arith.muli %get3A_400, %mul3A_433 : vector<16xi32>
      %add3A_435 = arith.constant 1 : i32
      %add3A_436 = vector.broadcast %add3A_435 : i32 to vector<16xi32>
      %add3A_437 = arith.addi %mul3A_434, %add3A_436 : vector<16xi32>
      %gather3A_438 = tpu.vector_load_idx %arg7[%add3A_437] : memref<40000xf32, #tpu.memory_space<vmem>>[vector<16xi32>], vector<16xf32>,
      %mul3A_439 = arith.constant 4 : i32
      %mul3A_440 = vector.broadcast %mul3A_439 : i32 to vector<16xi32>
      %mul3A_441 = arith.muli %get3A_402, %mul3A_440 : vector<16xi32>
      %add3A_442 = arith.constant 3 : i32
      %add3A_443 = vector.broadcast %add3A_442 : i32 to vector<16xi32>
      %add3A_444 = arith.addi %mul3A_441, %add3A_443 : vector<16xi32>
      %gather3A_445 = tpu.vector_load_idx %arg7[%add3A_444] : memref<40000xf32, #tpu.memory_space<vmem>>[vector<16xi32>], vector<16xf32>,
      %add3A_446 = arith.addf %gather3A_438, %gather3A_445 : vector<16xf32>
      %gt3A_447 = arith.constant 0.000000e+00 : f32
      %gt3A_448 = vector.broadcast %gt3A_447 : f32 to vector<16xf32>
      %gt3A_449 = arith.cmpf ogt, %add3A_446, %gt3A_448 : vector<16xf32>
      %mul3A_450 = arith.constant 2.000000e-01 : f32
      %mul3A_451 = vector.broadcast %mul3A_450 : f32 to vector<16xf32>
      %mul3A_452 = arith.mulf %mul3A_451, %add3A_446 : vector<16xf32>
      %select_n3A_453 = arith.select %gt3A_449, %add3A_446, %mul3A_452 : vector<16xi1>, vector<16xf32>
      %exp3A_454 = math.exp %select_n3A_453 : vector<16xf32>
      %broadcast_in_dim3A_455 = arith.constant 65 : i32
      %broadcast_in_dim3A_456 = vector.broadcast %broadcast_in_dim3A_455 : i32 to vector<16xi32>
      tpu.vector_store_idx %arg14[%add3A_406, %broadcast_in_dim3A_456], %exp3A_454 : memref<80x80xf32, #tpu.memory_space<vmem>>[vector<16xi32>, vector<16xi32>], vector<16xf32>,
      %get3A_457 = arith.constant 16 : index
      %get3A_458 = tpu.vector_load %arg10[%get3A_457] {strides = array<i32>} : memref<80xi32, #tpu.memory_space<vmem>>, vector<16xi32>,
      %get3A_459 = arith.constant 16 : index
      %get3A_460 = tpu.vector_load %arg11[%get3A_459] {strides = array<i32>} : memref<80xi32, #tpu.memory_space<vmem>>, vector<16xi32>,
      %iota3A_461 = tpu.iota {dimensions = array<i32: 0>} : vector<16xi32>
      %add3A_462 = arith.constant 16 : i32
      %add3A_463 = vector.broadcast %add3A_462 : i32 to vector<16xi32>
      %add3A_464 = arith.addi %iota3A_461, %add3A_463 : vector<16xi32>
      %mul3A_465 = arith.constant 4 : i32
      %mul3A_466 = vector.broadcast %mul3A_465 : i32 to vector<16xi32>
      %mul3A_467 = arith.muli %get3A_458, %mul3A_466 : vector<16xi32>
      %add3A_468 = arith.constant 0 : i32
      %add3A_469 = vector.broadcast %add3A_468 : i32 to vector<16xi32>
      %add3A_470 = arith.addi %mul3A_467, %add3A_469 : vector<16xi32>
      %gather3A_471 = tpu.vector_load_idx %arg7[%add3A_470] : memref<40000xf32, #tpu.memory_space<vmem>>[vector<16xi32>], vector<16xf32>,
      %mul3A_472 = arith.constant 4 : i32
      %mul3A_473 = vector.broadcast %mul3A_472 : i32 to vector<16xi32>
      %mul3A_474 = arith.muli %get3A_460, %mul3A_473 : vector<16xi32>
      %add3A_475 = arith.constant 2 : i32
      %add3A_476 = vector.broadcast %add3A_475 : i32 to vector<16xi32>
      %add3A_477 = arith.addi %mul3A_474, %add3A_476 : vector<16xi32>
      %gather3A_478 = tpu.vector_load_idx %arg7[%add3A_477] : memref<40000xf32, #tpu.memory_space<vmem>>[vector<16xi32>], vector<16xf32>,
      %add3A_479 = arith.addf %gather3A_471, %gather3A_478 : vector<16xf32>
      %gt3A_480 = arith.constant 0.000000e+00 : f32
      %gt3A_481 = vector.broadcast %gt3A_480 : f32 to vector<16xf32>
      %gt3A_482 = arith.cmpf ogt, %add3A_479, %gt3A_481 : vector<16xf32>
      %mul3A_483 = arith.constant 2.000000e-01 : f32
      %mul3A_484 = vector.broadcast %mul3A_483 : f32 to vector<16xf32>
      %mul3A_485 = arith.mulf %mul3A_484, %add3A_479 : vector<16xf32>
      %select_n3A_486 = arith.select %gt3A_482, %add3A_479, %mul3A_485 : vector<16xi1>, vector<16xf32>
      %exp3A_487 = math.exp %select_n3A_486 : vector<16xf32>
      %broadcast_in_dim3A_488 = arith.constant 64 : i32
      %broadcast_in_dim3A_489 = vector.broadcast %broadcast_in_dim3A_488 : i32 to vector<16xi32>
      tpu.vector_store_idx %arg14[%add3A_464, %broadcast_in_dim3A_489], %exp3A_487 : memref<80x80xf32, #tpu.memory_space<vmem>>[vector<16xi32>, vector<16xi32>], vector<16xf32>,
      %mul3A_490 = arith.constant 4 : i32
      %mul3A_491 = vector.broadcast %mul3A_490 : i32 to vector<16xi32>
      %mul3A_492 = arith.muli %get3A_458, %mul3A_491 : vector<16xi32>
      %add3A_493 = arith.constant 1 : i32
      %add3A_494 = vector.broadcast %add3A_493 : i32 to vector<16xi32>
      %add3A_495 = arith.addi %mul3A_492, %add3A_494 : vector<16xi32>
      %gather3A_496 = tpu.vector_load_idx %arg7[%add3A_495] : memref<40000xf32, #tpu.memory_space<vmem>>[vector<16xi32>], vector<16xf32>,
      %mul3A_497 = arith.constant 4 : i32
      %mul3A_498 = vector.broadcast %mul3A_497 : i32 to vector<16xi32>
      %mul3A_499 = arith.muli %get3A_460, %mul3A_498 : vector<16xi32>
      %add3A_500 = arith.constant 3 : i32
      %add3A_501 = vector.broadcast %add3A_500 : i32 to vector<16xi32>
      %add3A_502 = arith.addi %mul3A_499, %add3A_501 : vector<16xi32>
      %gather3A_503 = tpu.vector_load_idx %arg7[%add3A_502] : memref<40000xf32, #tpu.memory_space<vmem>>[vector<16xi32>], vector<16xf32>,
      %add3A_504 = arith.addf %gather3A_496, %gather3A_503 : vector<16xf32>
      %gt3A_505 = arith.constant 0.000000e+00 : f32
      %gt3A_506 = vector.broadcast %gt3A_505 : f32 to vector<16xf32>
      %gt3A_507 = arith.cmpf ogt, %add3A_504, %gt3A_506 : vector<16xf32>
      %mul3A_508 = arith.constant 2.000000e-01 : f32
      %mul3A_509 = vector.broadcast %mul3A_508 : f32 to vector<16xf32>
      %mul3A_510 = arith.mulf %mul3A_509, %add3A_504 : vector<16xf32>
      %select_n3A_511 = arith.select %gt3A_507, %add3A_504, %mul3A_510 : vector<16xi1>, vector<16xf32>
      %exp3A_512 = math.exp %select_n3A_511 : vector<16xf32>
      %broadcast_in_dim3A_513 = arith.constant 65 : i32
      %broadcast_in_dim3A_514 = vector.broadcast %broadcast_in_dim3A_513 : i32 to vector<16xi32>
      tpu.vector_store_idx %arg14[%add3A_464, %broadcast_in_dim3A_514], %exp3A_512 : memref<80x80xf32, #tpu.memory_space<vmem>>[vector<16xi32>, vector<16xi32>], vector<16xf32>,
      %get3A_515 = arith.constant 32 : index
      %get3A_516 = tpu.vector_load %arg10[%get3A_515] {strides = array<i32>} : memref<80xi32, #tpu.memory_space<vmem>>, vector<16xi32>,
      %get3A_517 = arith.constant 32 : index
      %get3A_518 = tpu.vector_load %arg11[%get3A_517] {strides = array<i32>} : memref<80xi32, #tpu.memory_space<vmem>>, vector<16xi32>,
      %iota3A_519 = tpu.iota {dimensions = array<i32: 0>} : vector<16xi32>
      %add3A_520 = arith.constant 32 : i32
      %add3A_521 = vector.broadcast %add3A_520 : i32 to vector<16xi32>
      %add3A_522 = arith.addi %iota3A_519, %add3A_521 : vector<16xi32>
      %mul3A_523 = arith.constant 4 : i32
      %mul3A_524 = vector.broadcast %mul3A_523 : i32 to vector<16xi32>
      %mul3A_525 = arith.muli %get3A_516, %mul3A_524 : vector<16xi32>
      %add3A_526 = arith.constant 0 : i32
      %add3A_527 = vector.broadcast %add3A_526 : i32 to vector<16xi32>
      %add3A_528 = arith.addi %mul3A_525, %add3A_527 : vector<16xi32>
      %gather3A_529 = tpu.vector_load_idx %arg7[%add3A_528] : memref<40000xf32, #tpu.memory_space<vmem>>[vector<16xi32>], vector<16xf32>,
      %mul3A_530 = arith.constant 4 : i32
      %mul3A_531 = vector.broadcast %mul3A_530 : i32 to vector<16xi32>
      %mul3A_532 = arith.muli %get3A_518, %mul3A_531 : vector<16xi32>
      %add3A_533 = arith.constant 2 : i32
      %add3A_534 = vector.broadcast %add3A_533 : i32 to vector<16xi32>
      %add3A_535 = arith.addi %mul3A_532, %add3A_534 : vector<16xi32>
      %gather3A_536 = tpu.vector_load_idx %arg7[%add3A_535] : memref<40000xf32, #tpu.memory_space<vmem>>[vector<16xi32>], vector<16xf32>,
      %add3A_537 = arith.addf %gather3A_529, %gather3A_536 : vector<16xf32>
      %gt3A_538 = arith.constant 0.000000e+00 : f32
      %gt3A_539 = vector.broadcast %gt3A_538 : f32 to vector<16xf32>
      %gt3A_540 = arith.cmpf ogt, %add3A_537, %gt3A_539 : vector<16xf32>
      %mul3A_541 = arith.constant 2.000000e-01 : f32
      %mul3A_542 = vector.broadcast %mul3A_541 : f32 to vector<16xf32>
      %mul3A_543 = arith.mulf %mul3A_542, %add3A_537 : vector<16xf32>
      %select_n3A_544 = arith.select %gt3A_540, %add3A_537, %mul3A_543 : vector<16xi1>, vector<16xf32>
      %exp3A_545 = math.exp %select_n3A_544 : vector<16xf32>
      %broadcast_in_dim3A_546 = arith.constant 64 : i32
      %broadcast_in_dim3A_547 = vector.broadcast %broadcast_in_dim3A_546 : i32 to vector<16xi32>
      tpu.vector_store_idx %arg14[%add3A_522, %broadcast_in_dim3A_547], %exp3A_545 : memref<80x80xf32, #tpu.memory_space<vmem>>[vector<16xi32>, vector<16xi32>], vector<16xf32>,
      %mul3A_548 = arith.constant 4 : i32
      %mul3A_549 = vector.broadcast %mul3A_548 : i32 to vector<16xi32>
      %mul3A_550 = arith.muli %get3A_516, %mul3A_549 : vector<16xi32>
      %add3A_551 = arith.constant 1 : i32
      %add3A_552 = vector.broadcast %add3A_551 : i32 to vector<16xi32>
      %add3A_553 = arith.addi %mul3A_550, %add3A_552 : vector<16xi32>
      %gather3A_554 = tpu.vector_load_idx %arg7[%add3A_553] : memref<40000xf32, #tpu.memory_space<vmem>>[vector<16xi32>], vector<16xf32>,
      %mul3A_555 = arith.constant 4 : i32
      %mul3A_556 = vector.broadcast %mul3A_555 : i32 to vector<16xi32>
      %mul3A_557 = arith.muli %get3A_518, %mul3A_556 : vector<16xi32>
      %add3A_558 = arith.constant 3 : i32
      %add3A_559 = vector.broadcast %add3A_558 : i32 to vector<16xi32>
      %add3A_560 = arith.addi %mul3A_557, %add3A_559 : vector<16xi32>
      %gather3A_561 = tpu.vector_load_idx %arg7[%add3A_560] : memref<40000xf32, #tpu.memory_space<vmem>>[vector<16xi32>], vector<16xf32>,
      %add3A_562 = arith.addf %gather3A_554, %gather3A_561 : vector<16xf32>
      %gt3A_563 = arith.constant 0.000000e+00 : f32
      %gt3A_564 = vector.broadcast %gt3A_563 : f32 to vector<16xf32>
      %gt3A_565 = arith.cmpf ogt, %add3A_562, %gt3A_564 : vector<16xf32>
      %mul3A_566 = arith.constant 2.000000e-01 : f32
      %mul3A_567 = vector.broadcast %mul3A_566 : f32 to vector<16xf32>
      %mul3A_568 = arith.mulf %mul3A_567, %add3A_562 : vector<16xf32>
      %select_n3A_569 = arith.select %gt3A_565, %add3A_562, %mul3A_568 : vector<16xi1>, vector<16xf32>
      %exp3A_570 = math.exp %select_n3A_569 : vector<16xf32>
      %broadcast_in_dim3A_571 = arith.constant 65 : i32
      %broadcast_in_dim3A_572 = vector.broadcast %broadcast_in_dim3A_571 : i32 to vector<16xi32>
      tpu.vector_store_idx %arg14[%add3A_522, %broadcast_in_dim3A_572], %exp3A_570 : memref<80x80xf32, #tpu.memory_space<vmem>>[vector<16xi32>, vector<16xi32>], vector<16xf32>,
      %get3A_573 = arith.constant 48 : index
      %get3A_574 = tpu.vector_load %arg10[%get3A_573] {strides = array<i32>} : memref<80xi32, #tpu.memory_space<vmem>>, vector<16xi32>,
      %get3A_575 = arith.constant 48 : index
      %get3A_576 = tpu.vector_load %arg11[%get3A_575] {strides = array<i32>} : memref<80xi32, #tpu.memory_space<vmem>>, vector<16xi32>,
      %iota3A_577 = tpu.iota {dimensions = array<i32: 0>} : vector<16xi32>
      %add3A_578 = arith.constant 48 : i32
      %add3A_579 = vector.broadcast %add3A_578 : i32 to vector<16xi32>
      %add3A_580 = arith.addi %iota3A_577, %add3A_579 : vector<16xi32>
      %mul3A_581 = arith.constant 4 : i32
      %mul3A_582 = vector.broadcast %mul3A_581 : i32 to vector<16xi32>
      %mul3A_583 = arith.muli %get3A_574, %mul3A_582 : vector<16xi32>
      %add3A_584 = arith.constant 0 : i32
      %add3A_585 = vector.broadcast %add3A_584 : i32 to vector<16xi32>
      %add3A_586 = arith.addi %mul3A_583, %add3A_585 : vector<16xi32>
      %gather3A_587 = tpu.vector_load_idx %arg7[%add3A_586] : memref<40000xf32, #tpu.memory_space<vmem>>[vector<16xi32>], vector<16xf32>,
      %mul3A_588 = arith.constant 4 : i32
      %mul3A_589 = vector.broadcast %mul3A_588 : i32 to vector<16xi32>
      %mul3A_590 = arith.muli %get3A_576, %mul3A_589 : vector<16xi32>
      %add3A_591 = arith.constant 2 : i32
      %add3A_592 = vector.broadcast %add3A_591 : i32 to vector<16xi32>
      %add3A_593 = arith.addi %mul3A_590, %add3A_592 : vector<16xi32>
      %gather3A_594 = tpu.vector_load_idx %arg7[%add3A_593] : memref<40000xf32, #tpu.memory_space<vmem>>[vector<16xi32>], vector<16xf32>,
      %add3A_595 = arith.addf %gather3A_587, %gather3A_594 : vector<16xf32>
      %gt3A_596 = arith.constant 0.000000e+00 : f32
      %gt3A_597 = vector.broadcast %gt3A_596 : f32 to vector<16xf32>
      %gt3A_598 = arith.cmpf ogt, %add3A_595, %gt3A_597 : vector<16xf32>
      %mul3A_599 = arith.constant 2.000000e-01 : f32
      %mul3A_600 = vector.broadcast %mul3A_599 : f32 to vector<16xf32>
      %mul3A_601 = arith.mulf %mul3A_600, %add3A_595 : vector<16xf32>
      %select_n3A_602 = arith.select %gt3A_598, %add3A_595, %mul3A_601 : vector<16xi1>, vector<16xf32>
      %exp3A_603 = math.exp %select_n3A_602 : vector<16xf32>
      %broadcast_in_dim3A_604 = arith.constant 64 : i32
      %broadcast_in_dim3A_605 = vector.broadcast %broadcast_in_dim3A_604 : i32 to vector<16xi32>
      tpu.vector_store_idx %arg14[%add3A_580, %broadcast_in_dim3A_605], %exp3A_603 : memref<80x80xf32, #tpu.memory_space<vmem>>[vector<16xi32>, vector<16xi32>], vector<16xf32>,
      %mul3A_606 = arith.constant 4 : i32
      %mul3A_607 = vector.broadcast %mul3A_606 : i32 to vector<16xi32>
      %mul3A_608 = arith.muli %get3A_574, %mul3A_607 : vector<16xi32>
      %add3A_609 = arith.constant 1 : i32
      %add3A_610 = vector.broadcast %add3A_609 : i32 to vector<16xi32>
      %add3A_611 = arith.addi %mul3A_608, %add3A_610 : vector<16xi32>
      %gather3A_612 = tpu.vector_load_idx %arg7[%add3A_611] : memref<40000xf32, #tpu.memory_space<vmem>>[vector<16xi32>], vector<16xf32>,
      %mul3A_613 = arith.constant 4 : i32
      %mul3A_614 = vector.broadcast %mul3A_613 : i32 to vector<16xi32>
      %mul3A_615 = arith.muli %get3A_576, %mul3A_614 : vector<16xi32>
      %add3A_616 = arith.constant 3 : i32
      %add3A_617 = vector.broadcast %add3A_616 : i32 to vector<16xi32>
      %add3A_618 = arith.addi %mul3A_615, %add3A_617 : vector<16xi32>
      %gather3A_619 = tpu.vector_load_idx %arg7[%add3A_618] : memref<40000xf32, #tpu.memory_space<vmem>>[vector<16xi32>], vector<16xf32>,
      %add3A_620 = arith.addf %gather3A_612, %gather3A_619 : vector<16xf32>
      %gt3A_621 = arith.constant 0.000000e+00 : f32
      %gt3A_622 = vector.broadcast %gt3A_621 : f32 to vector<16xf32>
      %gt3A_623 = arith.cmpf ogt, %add3A_620, %gt3A_622 : vector<16xf32>
      %mul3A_624 = arith.constant 2.000000e-01 : f32
      %mul3A_625 = vector.broadcast %mul3A_624 : f32 to vector<16xf32>
      %mul3A_626 = arith.mulf %mul3A_625, %add3A_620 : vector<16xf32>
      %select_n3A_627 = arith.select %gt3A_623, %add3A_620, %mul3A_626 : vector<16xi1>, vector<16xf32>
      %exp3A_628 = math.exp %select_n3A_627 : vector<16xf32>
      %broadcast_in_dim3A_629 = arith.constant 65 : i32
      %broadcast_in_dim3A_630 = vector.broadcast %broadcast_in_dim3A_629 : i32 to vector<16xi32>
      tpu.vector_store_idx %arg14[%add3A_580, %broadcast_in_dim3A_630], %exp3A_628 : memref<80x80xf32, #tpu.memory_space<vmem>>[vector<16xi32>, vector<16xi32>], vector<16xf32>,
      %get3A_631 = arith.constant 64 : index
      %get3A_632 = tpu.vector_load %arg10[%get3A_631] {strides = array<i32>} : memref<80xi32, #tpu.memory_space<vmem>>, vector<16xi32>,
      %get3A_633 = arith.constant 64 : index
      %get3A_634 = tpu.vector_load %arg11[%get3A_633] {strides = array<i32>} : memref<80xi32, #tpu.memory_space<vmem>>, vector<16xi32>,
      %iota3A_635 = tpu.iota {dimensions = array<i32: 0>} : vector<16xi32>
      %add3A_636 = arith.constant 64 : i32
      %add3A_637 = vector.broadcast %add3A_636 : i32 to vector<16xi32>
      %add3A_638 = arith.addi %iota3A_635, %add3A_637 : vector<16xi32>
      %mul3A_639 = arith.constant 4 : i32
      %mul3A_640 = vector.broadcast %mul3A_639 : i32 to vector<16xi32>
      %mul3A_641 = arith.muli %get3A_632, %mul3A_640 : vector<16xi32>
      %add3A_642 = arith.constant 0 : i32
      %add3A_643 = vector.broadcast %add3A_642 : i32 to vector<16xi32>
      %add3A_644 = arith.addi %mul3A_641, %add3A_643 : vector<16xi32>
      %gather3A_645 = tpu.vector_load_idx %arg7[%add3A_644] : memref<40000xf32, #tpu.memory_space<vmem>>[vector<16xi32>], vector<16xf32>,
      %mul3A_646 = arith.constant 4 : i32
      %mul3A_647 = vector.broadcast %mul3A_646 : i32 to vector<16xi32>
      %mul3A_648 = arith.muli %get3A_634, %mul3A_647 : vector<16xi32>
      %add3A_649 = arith.constant 2 : i32
      %add3A_650 = vector.broadcast %add3A_649 : i32 to vector<16xi32>
      %add3A_651 = arith.addi %mul3A_648, %add3A_650 : vector<16xi32>
      %gather3A_652 = tpu.vector_load_idx %arg7[%add3A_651] : memref<40000xf32, #tpu.memory_space<vmem>>[vector<16xi32>], vector<16xf32>,
      %add3A_653 = arith.addf %gather3A_645, %gather3A_652 : vector<16xf32>
      %gt3A_654 = arith.constant 0.000000e+00 : f32
      %gt3A_655 = vector.broadcast %gt3A_654 : f32 to vector<16xf32>
      %gt3A_656 = arith.cmpf ogt, %add3A_653, %gt3A_655 : vector<16xf32>
      %mul3A_657 = arith.constant 2.000000e-01 : f32
      %mul3A_658 = vector.broadcast %mul3A_657 : f32 to vector<16xf32>
      %mul3A_659 = arith.mulf %mul3A_658, %add3A_653 : vector<16xf32>
      %select_n3A_660 = arith.select %gt3A_656, %add3A_653, %mul3A_659 : vector<16xi1>, vector<16xf32>
      %exp3A_661 = math.exp %select_n3A_660 : vector<16xf32>
      %broadcast_in_dim3A_662 = arith.constant 64 : i32
      %broadcast_in_dim3A_663 = vector.broadcast %broadcast_in_dim3A_662 : i32 to vector<16xi32>
      tpu.vector_store_idx %arg14[%add3A_638, %broadcast_in_dim3A_663], %exp3A_661 : memref<80x80xf32, #tpu.memory_space<vmem>>[vector<16xi32>, vector<16xi32>], vector<16xf32>,
      %mul3A_664 = arith.constant 4 : i32
      %mul3A_665 = vector.broadcast %mul3A_664 : i32 to vector<16xi32>
      %mul3A_666 = arith.muli %get3A_632, %mul3A_665 : vector<16xi32>
      %add3A_667 = arith.constant 1 : i32
      %add3A_668 = vector.broadcast %add3A_667 : i32 to vector<16xi32>
      %add3A_669 = arith.addi %mul3A_666, %add3A_668 : vector<16xi32>
      %gather3A_670 = tpu.vector_load_idx %arg7[%add3A_669] : memref<40000xf32, #tpu.memory_space<vmem>>[vector<16xi32>], vector<16xf32>,
      %mul3A_671 = arith.constant 4 : i32
      %mul3A_672 = vector.broadcast %mul3A_671 : i32 to vector<16xi32>
      %mul3A_673 = arith.muli %get3A_634, %mul3A_672 : vector<16xi32>
      %add3A_674 = arith.constant 3 : i32
      %add3A_675 = vector.broadcast %add3A_674 : i32 to vector<16xi32>
      %add3A_676 = arith.addi %mul3A_673, %add3A_675 : vector<16xi32>
      %gather3A_677 = tpu.vector_load_idx %arg7[%add3A_676] : memref<40000xf32, #tpu.memory_space<vmem>>[vector<16xi32>], vector<16xf32>,
      %add3A_678 = arith.addf %gather3A_670, %gather3A_677 : vector<16xf32>
      %gt3A_679 = arith.constant 0.000000e+00 : f32
      %gt3A_680 = vector.broadcast %gt3A_679 : f32 to vector<16xf32>
      %gt3A_681 = arith.cmpf ogt, %add3A_678, %gt3A_680 : vector<16xf32>
      %mul3A_682 = arith.constant 2.000000e-01 : f32
      %mul3A_683 = vector.broadcast %mul3A_682 : f32 to vector<16xf32>
      %mul3A_684 = arith.mulf %mul3A_683, %add3A_678 : vector<16xf32>
      %select_n3A_685 = arith.select %gt3A_681, %add3A_678, %mul3A_684 : vector<16xi1>, vector<16xf32>
      %exp3A_686 = math.exp %select_n3A_685 : vector<16xf32>
      %broadcast_in_dim3A_687 = arith.constant 65 : i32
      %broadcast_in_dim3A_688 = vector.broadcast %broadcast_in_dim3A_687 : i32 to vector<16xi32>
      tpu.vector_store_idx %arg14[%add3A_638, %broadcast_in_dim3A_688], %exp3A_686 : memref<80x80xf32, #tpu.memory_space<vmem>>[vector<16xi32>, vector<16xi32>], vector<16xf32>,
      %scan3A_689 = arith.constant 0 : i32
      %scan3A_690 = arith.constant 0 : i32
      %scan3A_691 = arith.constant 80 : i32
      %scan3A_692 = arith.addi %scan3A_690, %scan3A_691 : i32
      %scan3A_693 = arith.constant 1 : i32
      scf.for %scan3A_721 = %scan3A_690 to %scan3A_692 step %scan3A_693  : i32 {
        %get3A_722 = arith.index_cast %scan3A_721 : i32 to index
        %get3A_723 = arith.constant 64 : index
        %get3A_724 = tpu.vector_load %arg14[%get3A_722, %get3A_723] {strides = array<i32>} : memref<80x80xf32, #tpu.memory_space<vmem>>, vector<16xf32>,
        %get3A_725 = arith.index_cast %scan3A_721 : i32 to index
        %get3A_726 = arith.constant 0 : index
        %get3A_727 = tpu.vector_load %arg13[%get3A_725, %get3A_726] {strides = array<i32>} : memref<80x64xf32, #tpu.memory_space<vmem>>, vector<16xf32>,
        %slice3A = vector.extract_strided_slice %get3A_724 {offsets = [0], sizes = [1], strides = [1]} : vector<16xf32> to vector<1xf32>
        %squeeze3A = vector.extract %slice3A[0] : f32 from vector<1xf32>
        %mul3A_728 = vector.broadcast %squeeze3A : f32 to vector<16xf32>
        %mul3A_729 = arith.mulf %get3A_727, %mul3A_728 : vector<16xf32>
        %swap3A = arith.index_cast %scan3A_721 : i32 to index
        %swap3A_730 = arith.constant 0 : index
        %swap3A_731 = tpu.vector_load %arg14[%swap3A, %swap3A_730] {strides = array<i32>} : memref<80x80xf32, #tpu.memory_space<vmem>>, vector<16xf32>,
        tpu.vector_store %arg14[%swap3A, %swap3A_730], %mul3A_729 {strides = array<i32>} : memref<80x80xf32, #tpu.memory_space<vmem>>, vector<16xf32>,
        %get3A_732 = arith.index_cast %scan3A_721 : i32 to index
        %get3A_733 = arith.constant 16 : index
        %get3A_734 = tpu.vector_load %arg13[%get3A_732, %get3A_733] {strides = array<i32>} : memref<80x64xf32, #tpu.memory_space<vmem>>, vector<16xf32>,
        %slice3A_735 = vector.extract_strided_slice %get3A_724 {offsets = [0], sizes = [1], strides = [1]} : vector<16xf32> to vector<1xf32>
        %squeeze3A_736 = vector.extract %slice3A_735[0] : f32 from vector<1xf32>
        %mul3A_737 = vector.broadcast %squeeze3A_736 : f32 to vector<16xf32>
        %mul3A_738 = arith.mulf %get3A_734, %mul3A_737 : vector<16xf32>
        %swap3A_739 = arith.index_cast %scan3A_721 : i32 to index
        %swap3A_740 = arith.constant 16 : index
        %swap3A_741 = tpu.vector_load %arg14[%swap3A_739, %swap3A_740] {strides = array<i32>} : memref<80x80xf32, #tpu.memory_space<vmem>>, vector<16xf32>,
        tpu.vector_store %arg14[%swap3A_739, %swap3A_740], %mul3A_738 {strides = array<i32>} : memref<80x80xf32, #tpu.memory_space<vmem>>, vector<16xf32>,
        %get3A_742 = arith.index_cast %scan3A_721 : i32 to index
        %get3A_743 = arith.constant 32 : index
        %get3A_744 = tpu.vector_load %arg13[%get3A_742, %get3A_743] {strides = array<i32>} : memref<80x64xf32, #tpu.memory_space<vmem>>, vector<16xf32>,
        %slice3A_745 = vector.extract_strided_slice %get3A_724 {offsets = [1], sizes = [1], strides = [1]} : vector<16xf32> to vector<1xf32>
        %squeeze3A_746 = vector.extract %slice3A_745[0] : f32 from vector<1xf32>
        %mul3A_747 = vector.broadcast %squeeze3A_746 : f32 to vector<16xf32>
        %mul3A_748 = arith.mulf %get3A_744, %mul3A_747 : vector<16xf32>
        %swap3A_749 = arith.index_cast %scan3A_721 : i32 to index
        %swap3A_750 = arith.constant 32 : index
        %swap3A_751 = tpu.vector_load %arg14[%swap3A_749, %swap3A_750] {strides = array<i32>} : memref<80x80xf32, #tpu.memory_space<vmem>>, vector<16xf32>,
        tpu.vector_store %arg14[%swap3A_749, %swap3A_750], %mul3A_748 {strides = array<i32>} : memref<80x80xf32, #tpu.memory_space<vmem>>, vector<16xf32>,
        %get3A_752 = arith.index_cast %scan3A_721 : i32 to index
        %get3A_753 = arith.constant 48 : index
        %get3A_754 = tpu.vector_load %arg13[%get3A_752, %get3A_753] {strides = array<i32>} : memref<80x64xf32, #tpu.memory_space<vmem>>, vector<16xf32>,
        %slice3A_755 = vector.extract_strided_slice %get3A_724 {offsets = [1], sizes = [1], strides = [1]} : vector<16xf32> to vector<1xf32>
        %squeeze3A_756 = vector.extract %slice3A_755[0] : f32 from vector<1xf32>
        %mul3A_757 = vector.broadcast %squeeze3A_756 : f32 to vector<16xf32>
        %mul3A_758 = arith.mulf %get3A_754, %mul3A_757 : vector<16xf32>
        %swap3A_759 = arith.index_cast %scan3A_721 : i32 to index
        %swap3A_760 = arith.constant 48 : index
        %swap3A_761 = tpu.vector_load %arg14[%swap3A_759, %swap3A_760] {strides = array<i32>} : memref<80x80xf32, #tpu.memory_space<vmem>>, vector<16xf32>,
        tpu.vector_store %arg14[%swap3A_759, %swap3A_760], %mul3A_758 {strides = array<i32>} : memref<80x80xf32, #tpu.memory_space<vmem>>, vector<16xf32>,
      }
      %scan3A_694 = arith.constant 80 : i32
      "tpu.region"() ({
        %run_scoped3A = tpu.sem_alloc : memref<!tpu.dma_semaphore, #tpu.memory_space<semaphore_mem>>
        %dma_start3A_721 = arith.constant 0 : i32
        %dma_start3A_722 = arith.constant 0 : i32
        %dma_start3A_723 = tpu.memref_slice %arg15[%dma_start3A_721, %dma_start3A_722] : memref<10240x80xf32, #tpu.memory_space<vmem_shared>> -> memref<10240x80xf32, #tpu.memory_space<vmem_shared>>
        tpu.enqueue_indirect_dma source(%arg14 : memref<80x80xf32, #tpu.memory_space<vmem>>) target(%dma_start3A_723 : memref<10240x80xf32, #tpu.memory_space<vmem_shared>>) offsets(%arg11 : memref<80xi32, #tpu.memory_space<vmem>>) semaphore(%run_scoped3A : memref<!tpu.dma_semaphore, #tpu.memory_space<semaphore_mem>>) {add = true}
        %dma_wait3A_724 = arith.constant 0 : i32
        %dma_wait3A_725 = arith.constant 0 : i32
        %dma_wait3A_726 = tpu.memref_slice %arg15[%dma_wait3A_724, %dma_wait3A_725] : memref<10240x80xf32, #tpu.memory_space<vmem_shared>> -> memref<10240x80xf32, #tpu.memory_space<vmem_shared>>
        tpu.wait_indirect_dma semaphore(%run_scoped3A : memref<!tpu.dma_semaphore, #tpu.memory_space<semaphore_mem>>) src(%arg14 : memref<80x80xf32, #tpu.memory_space<vmem>>) dst(%dma_wait3A_726 : memref<10240x80xf32, #tpu.memory_space<vmem_shared>>)
        tpu.yield
      }) : () -> ()
      %add3A_695 = arith.constant 3 : i32
      %add3A_696 = arith.addi %mul3A_68, %add3A_695 : i32
      %mul3A_697 = arith.constant 80 : i32
      %mul3A_698 = arith.muli %add3A_696, %mul3A_697 : i32
      %add3A_699 = arith.addi %mul3A_12, %mul3A_698 : i32
      %min3A_700 = arith.constant 319920 : i32
      %min3A_701 = arith.minsi %add3A_699, %min3A_700 : i32
      %dma_start3A_702 = tpu.memref_slice %arg2[%min3A_701] : memref<320000xi32, #tpu.memory_space<hbm>> -> memref<80xi32, #tpu.memory_space<hbm>>
      %dma_start3A_703 = tpu.memref_slice %arg2[%min3A_701] : memref<320000xi32, #tpu.memory_space<hbm>> -> memref<80xi32, #tpu.memory_space<hbm>>
      tpu.enqueue_dma source(%dma_start3A_703 : memref<80xi32, #tpu.memory_space<hbm>>) target(%arg10 : memref<80xi32, #tpu.memory_space<vmem>>) target_semaphore(%arg17 : memref<!tpu.dma_semaphore, #tpu.memory_space<semaphore_mem>>)
      %dma_start3A_704 = tpu.memref_slice %arg3[%min3A_701] : memref<320000xi32, #tpu.memory_space<hbm>> -> memref<80xi32, #tpu.memory_space<hbm>>
      %dma_start3A_705 = tpu.memref_slice %arg3[%min3A_701] : memref<320000xi32, #tpu.memory_space<hbm>> -> memref<80xi32, #tpu.memory_space<hbm>>
      tpu.enqueue_dma source(%dma_start3A_705 : memref<80xi32, #tpu.memory_space<hbm>>) target(%arg11 : memref<80xi32, #tpu.memory_space<vmem>>) target_semaphore(%arg17 : memref<!tpu.dma_semaphore, #tpu.memory_space<semaphore_mem>>)
      %dma_wait3A_706 = arith.constant 0 : i32
      %dma_wait3A_707 = tpu.memref_slice %arg2[%dma_wait3A_706] : memref<320000xi32, #tpu.memory_space<hbm>> -> memref<80xi32, #tpu.memory_space<hbm>>
      %dma_wait3A_708 = arith.constant 0 : i32
      %dma_wait3A_709 = tpu.memref_slice %arg2[%dma_wait3A_708] : memref<320000xi32, #tpu.memory_space<hbm>> -> memref<80xi32, #tpu.memory_space<hbm>>
      tpu.wait_dma2 semaphore(%arg16 : memref<!tpu.dma_semaphore, #tpu.memory_space<semaphore_mem>>) src(%dma_wait3A_709 : memref<80xi32, #tpu.memory_space<hbm>>) dst(%arg8 : memref<80xi32, #tpu.memory_space<vmem>>)
      %dma_wait3A_710 = arith.constant 0 : i32
      %dma_wait3A_711 = tpu.memref_slice %arg3[%dma_wait3A_710] : memref<320000xi32, #tpu.memory_space<hbm>> -> memref<80xi32, #tpu.memory_space<hbm>>
      %dma_wait3A_712 = arith.constant 0 : i32
      %dma_wait3A_713 = tpu.memref_slice %arg3[%dma_wait3A_712] : memref<320000xi32, #tpu.memory_space<hbm>> -> memref<80xi32, #tpu.memory_space<hbm>>
      tpu.wait_dma2 semaphore(%arg16 : memref<!tpu.dma_semaphore, #tpu.memory_space<semaphore_mem>>) src(%dma_wait3A_713 : memref<80xi32, #tpu.memory_space<hbm>>) dst(%arg9 : memref<80xi32, #tpu.memory_space<vmem>>)
      %dma_start3A_714 = arith.constant 0 : i32
      %dma_start3A_715 = arith.constant 0 : i32
      %dma_start3A_716 = tpu.memref_slice %arg5[%arg0, %dma_start3A_714, %dma_start3A_715] : memref<2x10000x64xf32, #tpu.memory_space<hbm>> -> memref<1x10000x64xf32, #tpu.memory_space<hbm>>
      %dma_start3A_717 = tpu.memref_squeeze %dma_start3A_716 : memref<1x10000x64xf32, #tpu.memory_space<hbm>> -> memref<10000x64xf32, #tpu.memory_space<hbm>>
      %dma_start3A_718 = arith.constant 0 : i32
      %dma_start3A_719 = arith.constant 0 : i32
      %dma_start3A_720 = tpu.memref_slice %dma_start3A_717[%dma_start3A_718, %dma_start3A_719] : memref<10000x64xf32, #tpu.memory_space<hbm>> -> memref<10000x64xf32, #tpu.memory_space<hbm>>
      tpu.enqueue_indirect_dma source(%dma_start3A_720 : memref<10000x64xf32, #tpu.memory_space<hbm>>) target(%arg12 : memref<80x64xf32, #tpu.memory_space<vmem>>) offsets(%arg8 : memref<80xi32, #tpu.memory_space<vmem>>) semaphore(%arg18 : memref<!tpu.dma_semaphore, #tpu.memory_space<semaphore_mem>>)
    }
    %scan3A_45 = arith.constant 125 : i32
    %dma_wait3A_46 = arith.constant 0 : i32
    %dma_wait3A_47 = arith.constant 0 : i32
    %dma_wait3A_48 = tpu.memref_slice %arg5[%arg0, %dma_wait3A_46, %dma_wait3A_47] : memref<2x10000x64xf32, #tpu.memory_space<hbm>> -> memref<1x10000x64xf32, #tpu.memory_space<hbm>>
    %dma_wait3A_49 = tpu.memref_squeeze %dma_wait3A_48 : memref<1x10000x64xf32, #tpu.memory_space<hbm>> -> memref<10000x64xf32, #tpu.memory_space<hbm>>
    %dma_wait3A_50 = arith.constant 0 : i32
    %dma_wait3A_51 = arith.constant 0 : i32
    %dma_wait3A_52 = tpu.memref_slice %dma_wait3A_49[%dma_wait3A_50, %dma_wait3A_51] : memref<10000x64xf32, #tpu.memory_space<hbm>> -> memref<10000x64xf32, #tpu.memory_space<hbm>>
    tpu.wait_indirect_dma semaphore(%arg18 : memref<!tpu.dma_semaphore, #tpu.memory_space<semaphore_mem>>) src(%dma_wait3A_52 : memref<10000x64xf32, #tpu.memory_space<hbm>>) dst(%arg12 : memref<80x64xf32, #tpu.memory_space<vmem>>)
    %dma_wait3A_53 = arith.constant 0 : i32
    %dma_wait3A_54 = tpu.memref_slice %arg2[%dma_wait3A_53] : memref<320000xi32, #tpu.memory_space<hbm>> -> memref<80xi32, #tpu.memory_space<hbm>>
    %dma_wait3A_55 = arith.constant 0 : i32
    %dma_wait3A_56 = tpu.memref_slice %arg2[%dma_wait3A_55] : memref<320000xi32, #tpu.memory_space<hbm>> -> memref<80xi32, #tpu.memory_space<hbm>>
    tpu.wait_dma2 semaphore(%arg17 : memref<!tpu.dma_semaphore, #tpu.memory_space<semaphore_mem>>) src(%dma_wait3A_56 : memref<80xi32, #tpu.memory_space<hbm>>) dst(%arg10 : memref<80xi32, #tpu.memory_space<vmem>>)
    %dma_wait3A_57 = arith.constant 0 : i32
    %dma_wait3A_58 = tpu.memref_slice %arg3[%dma_wait3A_57] : memref<320000xi32, #tpu.memory_space<hbm>> -> memref<80xi32, #tpu.memory_space<hbm>>
    %dma_wait3A_59 = arith.constant 0 : i32
    %dma_wait3A_60 = tpu.memref_slice %arg3[%dma_wait3A_59] : memref<320000xi32, #tpu.memory_space<hbm>> -> memref<80xi32, #tpu.memory_space<hbm>>
    tpu.wait_dma2 semaphore(%arg17 : memref<!tpu.dma_semaphore, #tpu.memory_space<semaphore_mem>>) src(%dma_wait3A_60 : memref<80xi32, #tpu.memory_space<hbm>>) dst(%arg11 : memref<80xi32, #tpu.memory_space<vmem>>)
    %barrier3A_61 = arith.constant 0 : index
    tpu.barrier barrier_id(%barrier3A_61)
    %mul3A_62 = arith.constant 640 : i32
    %mul3A_63 = arith.muli %arg1, %mul3A_62 : i32
    %mul3A_64 = arith.constant 640 : i32
    %mul3A_65 = arith.muli %arg1, %mul3A_64 : i32
    "tpu.region"() ({
      %run_scoped3A = tpu.sem_alloc : memref<!tpu.dma_semaphore, #tpu.memory_space<semaphore_mem>>
      %dma_start3A_66 = arith.constant 0 : i32
      %dma_start3A_67 = tpu.memref_slice %arg6[%arg0, %mul3A_65, %dma_start3A_66] : memref<2x10240x80xf32, #tpu.memory_space<hbm>> -> memref<1x640x80xf32, #tpu.memory_space<hbm>>
      %dma_start3A_68 = tpu.memref_squeeze %dma_start3A_67 : memref<1x640x80xf32, #tpu.memory_space<hbm>> -> memref<640x80xf32, #tpu.memory_space<hbm>>
      %dma_start3A_69 = arith.constant 0 : i32
      %dma_start3A_70 = tpu.memref_slice %arg15[%mul3A_63, %dma_start3A_69] : memref<10240x80xf32, #tpu.memory_space<vmem_shared>> -> memref<640x80xf32, #tpu.memory_space<vmem_shared>>
      tpu.enqueue_dma source(%dma_start3A_70 : memref<640x80xf32, #tpu.memory_space<vmem_shared>>) target(%dma_start3A_68 : memref<640x80xf32, #tpu.memory_space<hbm>>) target_semaphore(%run_scoped3A : memref<!tpu.dma_semaphore, #tpu.memory_space<semaphore_mem>>)
      %dma_wait3A_71 = arith.constant 0 : i32
      %dma_wait3A_72 = tpu.memref_slice %arg6[%arg0, %mul3A_65, %dma_wait3A_71] : memref<2x10240x80xf32, #tpu.memory_space<hbm>> -> memref<1x640x80xf32, #tpu.memory_space<hbm>>
      %dma_wait3A_73 = tpu.memref_squeeze %dma_wait3A_72 : memref<1x640x80xf32, #tpu.memory_space<hbm>> -> memref<640x80xf32, #tpu.memory_space<hbm>>
      %dma_wait3A_74 = arith.constant 0 : i32
      %dma_wait3A_75 = tpu.memref_slice %arg15[%mul3A_63, %dma_wait3A_74] : memref<10240x80xf32, #tpu.memory_space<vmem_shared>> -> memref<640x80xf32, #tpu.memory_space<vmem_shared>>
      tpu.wait_dma2 semaphore(%run_scoped3A : memref<!tpu.dma_semaphore, #tpu.memory_space<semaphore_mem>>) src(%dma_wait3A_75 : memref<640x80xf32, #tpu.memory_space<vmem_shared>>) dst(%dma_wait3A_73 : memref<640x80xf32, #tpu.memory_space<hbm>>)
      tpu.yield
    }) : () -> ()
    return
  }
}

module attributes {stable_mosaic.version = 14 : i64} {
  func.func @_mm_body(%arg0: i32, %arg1: memref<1000x128xf32, #tpu.memory_space<vmem>>, %arg2: memref<128x128xf32, #tpu.memory_space<vmem>>, %arg3: memref<128x8xf32, #tpu.memory_space<vmem>>, %arg4: memref<1000x128xf32, #tpu.memory_space<vmem>>, %arg5: memref<1000x8xf32, #tpu.memory_space<vmem>>) attributes {dimension_semantics = [#tpu.dimension_semantics<arbitrary>], iteration_bounds = array<i64: 10>, scalar_prefetch = 0 : i64, scratch_operands = 0 : i64, tpu.core_type = #tpu.core_type<tc>, window_params = [{transform_indices = @transform_0, window_bounds = array<i64: 1000, 128>}, {pipeline_mode = #tpu.pipeline_mode<synchronous>, transform_indices = @transform_1, window_bounds = array<i64: 128, 128>}, {pipeline_mode = #tpu.pipeline_mode<synchronous>, transform_indices = @transform_2, window_bounds = array<i64: 128, 8>}, {transform_indices = @transform_3, window_bounds = array<i64: 1000, 128>}, {transform_indices = @transform_4, window_bounds = array<i64: 1000, 8>}]} {
    %get3A = arith.constant 0 : index
    %get3A_0 = arith.constant 0 : index
    %get3A_1 = vector.load %arg1[%get3A, %get3A_0] : memref<1000x128xf32, #tpu.memory_space<vmem>>, vector<1000x128xf32>
    %get3A_2 = arith.constant 0 : index
    %get3A_3 = arith.constant 0 : index
    %get3A_4 = vector.load %arg2[%get3A_2, %get3A_3] : memref<128x128xf32, #tpu.memory_space<vmem>>, vector<128x128xf32>
    %dot_general3A = arith.constant dense<0.000000e+00> : vector<1000x128xf32>
    %dot_general3A_5 = tpu.matmul %get3A_1, %get3A_4, %dot_general3A {dimension_numbers = #tpu.dot_dimension_numbers<[1], [0], [0], [1], [0, 0, 1, 1], [], []>, transpose_lhs_hint = false} : vector<1000x128xf32>, vector<128x128xf32>, vector<1000x128xf32> -> vector<1000x128xf32>
    %swap3A = arith.constant 0 : index
    %swap3A_6 = arith.constant 0 : index
    %swap3A_7 = vector.load %arg4[%swap3A, %swap3A_6] : memref<1000x128xf32, #tpu.memory_space<vmem>>, vector<1000x128xf32>
    tpu.vector_store %arg4[%swap3A, %swap3A_6], %dot_general3A_5 {strides = array<i32>} : memref<1000x128xf32, #tpu.memory_space<vmem>>, vector<1000x128xf32>,
    %get3A_8 = arith.constant 0 : index
    %get3A_9 = arith.constant 0 : index
    %get3A_10 = vector.load %arg3[%get3A_8, %get3A_9] : memref<128x8xf32, #tpu.memory_space<vmem>>, vector<128x8xf32>
    %dot_general3A_11 = arith.constant dense<0.000000e+00> : vector<1000x8xf32>
    %dot_general3A_12 = tpu.matmul %dot_general3A_5, %get3A_10, %dot_general3A_11 {dimension_numbers = #tpu.dot_dimension_numbers<[1], [0], [0], [1], [0, 0, 1, 1], [], []>, transpose_lhs_hint = false} : vector<1000x128xf32>, vector<128x8xf32>, vector<1000x8xf32> -> vector<1000x8xf32>
    %swap3A_13 = arith.constant 0 : index
    %swap3A_14 = arith.constant 0 : index
    %swap3A_15 = vector.load %arg5[%swap3A_13, %swap3A_14] : memref<1000x8xf32, #tpu.memory_space<vmem>>, vector<1000x8xf32>
    tpu.vector_store %arg5[%swap3A_13, %swap3A_14], %dot_general3A_12 {strides = array<i32>} : memref<1000x8xf32, #tpu.memory_space<vmem>>, vector<1000x8xf32>,
    return
  }
  func.func @transform_0(%arg0: i32) -> (i32, i32) {
    %c0_i32 = arith.constant 0 : i32
    %c0_i32_0 = arith.constant 0 : i32
    return %arg0, %c0_i32 : i32, i32
  }
  func.func @transform_1(%arg0: i32) -> (i32, i32) {
    %c0_i32 = arith.constant 0 : i32
    %c0_i32_0 = arith.constant 0 : i32
    %c0_i32_1 = arith.constant 0 : i32
    return %c0_i32, %c0_i32_0 : i32, i32
  }
  func.func @transform_2(%arg0: i32) -> (i32, i32) {
    %c0_i32 = arith.constant 0 : i32
    %c0_i32_0 = arith.constant 0 : i32
    %c0_i32_1 = arith.constant 0 : i32
    return %c0_i32, %c0_i32_0 : i32, i32
  }
  func.func @transform_3(%arg0: i32) -> (i32, i32) {
    %c0_i32 = arith.constant 0 : i32
    %c0_i32_0 = arith.constant 0 : i32
    return %arg0, %c0_i32 : i32, i32
  }
  func.func @transform_4(%arg0: i32) -> (i32, i32) {
    %c0_i32 = arith.constant 0 : i32
    %c0_i32_0 = arith.constant 0 : i32
    return %arg0, %c0_i32 : i32, i32
  }
}

module attributes {stable_mosaic.version = 14 : i64} {
  func.func @_fin_body(%arg0: i32, %arg1: memref<1x1024x80xf32, #tpu.memory_space<vmem>>, %arg2: memref<1x1024x80xf32, #tpu.memory_space<vmem>>, %arg3: memref<1024x128xf32, #tpu.memory_space<vmem>>) attributes {dimension_semantics = [#tpu.dimension_semantics<arbitrary>], iteration_bounds = array<i64: 10>, scalar_prefetch = 0 : i64, scratch_operands = 0 : i64, tpu.core_type = #tpu.core_type<tc>, window_params = [{transform_indices = @transform_0, window_bounds = array<i64: 1, 1024, 80>}, {transform_indices = @transform_1, window_bounds = array<i64: 1, 1024, 80>}, {transform_indices = @transform_2, window_bounds = array<i64: 1024, 128>}]} {
    %get3A = arith.constant 0 : index
    %get3A_0 = arith.constant 0 : index
    %get3A_1 = arith.constant 0 : index
    %get3A_2 = vector.load %arg1[%get3A, %get3A_0, %get3A_1] : memref<1x1024x80xf32, #tpu.memory_space<vmem>>, vector<1x1024x80xf32>
    %get3A_3 = vector.shape_cast %get3A_2 : vector<1x1024x80xf32> to vector<1024x80xf32>
    %get3A_4 = arith.constant 0 : index
    %get3A_5 = arith.constant 0 : index
    %get3A_6 = arith.constant 0 : index
    %get3A_7 = vector.load %arg2[%get3A_4, %get3A_5, %get3A_6] : memref<1x1024x80xf32, #tpu.memory_space<vmem>>, vector<1x1024x80xf32>
    %get3A_8 = vector.shape_cast %get3A_7 : vector<1x1024x80xf32> to vector<1024x80xf32>
    %slice3A = vector.extract_strided_slice %get3A_3 {offsets = [0, 0], sizes = [1024, 64], strides = [1, 1]} : vector<1024x80xf32> to vector<1024x64xf32>
    %slice3A_9 = vector.extract_strided_slice %get3A_8 {offsets = [0, 0], sizes = [1024, 64], strides = [1, 1]} : vector<1024x80xf32> to vector<1024x64xf32>
    %concatenate3A = tpu.concatenate %slice3A, %slice3A_9 in 1 : vector<1024x64xf32>, vector<1024x64xf32> -> vector<1024x128xf32>
    %slice3A_10 = vector.extract_strided_slice %get3A_3 {offsets = [0, 64], sizes = [1024, 1], strides = [1, 1]} : vector<1024x80xf32> to vector<1024x1xf32>
    %broadcast_in_dim3A = vector.shape_cast %slice3A_10 : vector<1024x1xf32> to vector<1024x1xf32>
    %broadcast_in_dim3A_11 = vector.broadcast %broadcast_in_dim3A : vector<1024x1xf32> to vector<1024x32xf32>
    %slice3A_12 = vector.extract_strided_slice %get3A_3 {offsets = [0, 65], sizes = [1024, 1], strides = [1, 1]} : vector<1024x80xf32> to vector<1024x1xf32>
    %broadcast_in_dim3A_13 = vector.shape_cast %slice3A_12 : vector<1024x1xf32> to vector<1024x1xf32>
    %broadcast_in_dim3A_14 = vector.broadcast %broadcast_in_dim3A_13 : vector<1024x1xf32> to vector<1024x32xf32>
    %slice3A_15 = vector.extract_strided_slice %get3A_8 {offsets = [0, 64], sizes = [1024, 1], strides = [1, 1]} : vector<1024x80xf32> to vector<1024x1xf32>
    %broadcast_in_dim3A_16 = vector.shape_cast %slice3A_15 : vector<1024x1xf32> to vector<1024x1xf32>
    %broadcast_in_dim3A_17 = vector.broadcast %broadcast_in_dim3A_16 : vector<1024x1xf32> to vector<1024x32xf32>
    %slice3A_18 = vector.extract_strided_slice %get3A_8 {offsets = [0, 65], sizes = [1024, 1], strides = [1, 1]} : vector<1024x80xf32> to vector<1024x1xf32>
    %broadcast_in_dim3A_19 = vector.shape_cast %slice3A_18 : vector<1024x1xf32> to vector<1024x1xf32>
    %broadcast_in_dim3A_20 = vector.broadcast %broadcast_in_dim3A_19 : vector<1024x1xf32> to vector<1024x32xf32>
    %concatenate3A_21 = tpu.concatenate %broadcast_in_dim3A_11, %broadcast_in_dim3A_14, %broadcast_in_dim3A_17, %broadcast_in_dim3A_20 in 1 : vector<1024x32xf32>, vector<1024x32xf32>, vector<1024x32xf32>, vector<1024x32xf32> -> vector<1024x128xf32>
    %gt3A = arith.constant 0.000000e+00 : f32
    %gt3A_22 = vector.broadcast %gt3A : f32 to vector<1024x128xf32>
    %gt3A_23 = arith.cmpf ogt, %concatenate3A_21, %gt3A_22 : vector<1024x128xf32>
    %div3A = arith.divf %concatenate3A, %concatenate3A_21 : vector<1024x128xf32>
    %jit3A = arith.constant 0.000000e+00 : f32
    %broadcast_in_dim3A_24 = vector.broadcast %jit3A : f32 to vector<1024x128xf32>
    %select_n3A = arith.select %gt3A_23, %div3A, %broadcast_in_dim3A_24 : vector<1024x128xi1>, vector<1024x128xf32>
    %swap3A = arith.constant 0 : index
    %swap3A_25 = arith.constant 0 : index
    %swap3A_26 = vector.load %arg3[%swap3A, %swap3A_25] : memref<1024x128xf32, #tpu.memory_space<vmem>>, vector<1024x128xf32>
    tpu.vector_store %arg3[%swap3A, %swap3A_25], %select_n3A {strides = array<i32>} : memref<1024x128xf32, #tpu.memory_space<vmem>>, vector<1024x128xf32>,
    return
  }
  func.func @transform_0(%arg0: i32) -> (i32, i32, i32) {
    %c0_i32 = arith.constant 0 : i32
    %c0_i32_0 = arith.constant 0 : i32
    %c0_i32_1 = arith.constant 0 : i32
    return %c0_i32, %arg0, %c0_i32_0 : i32, i32, i32
  }
  func.func @transform_1(%arg0: i32) -> (i32, i32, i32) {
    %c1_i32 = arith.constant 1 : i32
    %c0_i32 = arith.constant 0 : i32
    %c0_i32_0 = arith.constant 0 : i32
    return %c1_i32, %arg0, %c0_i32 : i32, i32, i32
  }
  func.func @transform_2(%arg0: i32) -> (i32, i32) {
    %c0_i32 = arith.constant 0 : i32
    %c0_i32_0 = arith.constant 0 : i32
    return %arg0, %c0_i32 : i32, i32
  }
}

</mosaic_0001>

<sc_bundles>
// kernel: kernel.5.cloned.1.call-start
scs
__scs_entry_jumppad:
0x0: {  	(pc) =	sbr.rel $0x88, $3  }
0x1: {  	(tag) =	ssettag $0x0;
	lr =	simm.s32 $0x1  }
0x2: {  	[smem:$0x3F9C] =	sst lr;
	_ =	strace $0xD0000000  }
0x3: {  	_ = 	snop  }
0x4: {  	_ = 	snop  }
0x5: {  	_ = 	snop  }
0x6: {  	_ = 	snop  }
0x7: {  	_ = 	snop  }
__scs_overlays_trampoline_lowered:
0x8: {  	[smem:$0x3FAB] =	sst s0  }
0x9: {  	[smem:$0x3FAC] =	sst s1  }
0xa: {  	[smem:$0x3FAD] =	sst s2  }
0xb: {  	[smem:$0x3FAE] =	sst s3  }
0xc: {  	[smem:$0x3FAF] =	sst s4  }
0xd: {  	[smem:$0x3FB0] =	sst s5  }
0xe: {  	[smem:$0x3FB1] =	sst s6  }
0xf: {  	[smem:$0x3FB2] =	sst s7  }
0x10: {  	[smem:$0x3FB3] =	sst s8  }
0x11: {  	[smem:$0x3FB4] =	sst s9;
	s0 =	simm.s32 @!p0 $0x0  }
0x12: {  	s1 =	sld [smem:$0x3F9A];
	s0 =	simm.s32 @p0 $0x1  }
0x13: {  	[smem:$0x3FB5] =	sst s0;
	s0 =	simm.s32 @!p1 $0x0  }
0x14: {  	s2 =	sld [smem:$0x3F99];
	s0 =	simm.s32 @p1 $0x1  }
0x15: {  	[smem:$0x3FB6] =	sst s0;
	s0 =	simm.s32 @!p2 $0x0  }
0x16: {  	s3 =	sld [smem:$0x3FDB];
	s0 =	simm.s32 @p2 $0x1  }
0x17: {  	s4 =	simm.s32 $0x1BF5;
	[smem:$0x3FB8] =	sst s0  }
0x18: {  	s0 =	sld [smem:$0x3F9B];
	_ =	swait.ge [sflag:s4], $0x0  }
0x19: {  	s7 =	sld [smem:$0x3F9C]  }
0x1a: {  	s8 =	sadd.s32 $0xFFFFE003, lr  }
0x1b: {  	s9 =	sadd.s32 $0xFFFFFEF7, lr;
	s5 =	simm.s32 $0xFFFFFFFF;
	p2 =	slt.u32 s8, $0xFFFFF086  }
0x1c: {  	p1 =	slt.u32 s9, $0xF7A;
	s5 =	simm.s32 @!p2 $0x0  }
0x1d: {  	s5 =	simm.s32 @p1 $0x1;
	p0 =	seq.s32 s7, s2  }
0x1e: {  	s7 =	smul.u32 @!p0 $0xF7A, s2;
	p2 =	seq.s32 @!p0 s5, $0x0  }
0x1f: {  	s9 =	smul.u32 $0xF7A, s1;
	s8 =	simm.s32 @!p0 $0x1BF5;
	p2 =	por !p2, p0  }
0x20: {  	[sflag:s8] =	ssyncset.s32 @!p0 $0xFFFFF086;
	s6 =	sadd.s32 @!p0 s3, s7;
	s7 =	simm.s32 @!p0 $0x108  }
0x21: {  	s3 =	sadd.s32 s3, s9;
	s6 =	sadd.s32 @!p0 $0x88, s6;
	s7 =	simm.s32 @p2 $0x1082  }
0x22: {  	[simem:s7], [sflag:s8] =	dma.local @!p0 [hbm:s6], $0xF7A  }
0x23: {  	s9 =	sor.u32 $0xD0000000, s2;
	s6 =	simm.s32 $0x108;
	_ =	swait.ge @!p0 [sflag:s8], $0x0  }
0x24: {  	s3 =	sadd.s32 $0x88, s3;
	s6 =	simm.s32 @!p1 $0x1082;
	[sflag:s4] =	ssyncset.s32 $0xFFFFF086  }
0x25: {  	[simem:s6], [sflag:s4] =	dma.local [hbm:s3], $0xF7A  }
0x26: {  	[smem:$0x3F9C] =	sst s1;
	(tag) =	ssettag s2;
	_ =	strace s9  }
0x27: {  	s1 =	sld [smem:$0x3FAC]  }
0x28: {  	s2 =	sld [smem:$0x3FAD]  }
0x29: {  	s4 =	sld [smem:$0x3FAF]  }
0x2a: {  	p0 =	seq.s32 s5, $0x0;
	s5 =	sld [smem:$0x3FB0]  }
0x2b: {  	s6 =	sld [smem:$0x3FB1]  }
0x2c: {  	s7 =	sld [smem:$0x3FB2]  }
0x2d: {  	s3 =	simm.s32 $0x108;
	s8 =	sld [smem:$0x3FB3]  }
0x2e: {  	s3 =	simm.s32 @!p0 $0x1082;
	s9 =	sld [smem:$0x3FB4]  }
0x2f: {  	lr =	sadd.s32 s0, s3;
	s0 =	sld [smem:$0x3FAB]  }
0x30: {  	s3 =	sld [smem:$0x3FAE]  }
0x31: {  	[smem:$0x3FB7] =	sst s10  }
0x32: {  	s10 =	sld [smem:$0x3FB5];
	_ =	sdelay $0x3  }
0x33: {  	p0 =	seq.s32 s10, $0x1;
	s10 =	sld [smem:$0x3FB7];
	_ =	sdelay $0x3  }
0x34: {  	[smem:$0x3FB7] =	sst s10  }
0x35: {  	s10 =	sld [smem:$0x3FB6];
	_ =	sdelay $0x3  }
0x36: {  	p1 =	seq.s32 s10, $0x1;
	s10 =	sld [smem:$0x3FB7];
	_ =	sdelay $0x3  }
0x37: {  	[smem:$0x3FB7] =	sst s10  }
0x38: {  	s10 =	sld [smem:$0x3FB8]  }
0x39: {  	_ = 	snop;
	(pc) =	sbr.ind lr, $3  }
0x3a: {  	_ = 	snop  }
0x3b: {  	_ = 	snop  }
0x3c: {  	p2 =	seq.s32 s10, $0x1;
	s10 =	sld [smem:$0x3FB7]  }
0x3d: {  	_ =	shalt  }
0x3e: {  	_ =	shalt  }
0x3f: {  	_ =	shalt  }
0x40: {  	_ =	shalt  }
0x41: {  	_ =	shalt  }
0x42: {  	_ =	shalt  }
0x43: {  	_ =	shalt  }
0x44: {  	_ =	shalt  }
0x45: {  	_ =	shalt  }
0x46: {  	_ =	shalt  }
0x47: {  	_ =	shalt  }
0x48: {  	_ =	shalt  }
0x49: {  	_ =	shalt  }
0x4a: {  	_ =	shalt  }
0x4b: {  	_ =	shalt  }
0x4c: {  	_ =	shalt  }
0x4d: {  	_ =	shalt  }
0x4e: {  	_ =	shalt  }
0x4f: {  	_ =	shalt  }
0x50: {  	_ =	shalt  }
0x51: {  	_ =	shalt  }
0x52: {  	_ =	shalt  }
0x53: {  	_ =	shalt  }
0x54: {  	_ =	shalt  }
0x55: {  	_ =	shalt  }
0x56: {  	_ =	shalt  }
0x57: {  	_ =	shalt  }
0x58: {  	_ =	shalt  }
0x59: {  	_ =	shalt  }
0x5a: {  	_ =	shalt  }
0x5b: {  	_ =	shalt  }
0x5c: {  	_ =	shalt  }
0x5d: {  	_ =	shalt  }
0x5e: {  	_ =	shalt  }
0x5f: {  	_ =	shalt  }
0x60: {  	_ =	shalt  }
0x61: {  	_ =	shalt  }
0x62: {  	_ =	shalt  }
0x63: {  	_ =	shalt  }
0x64: {  	_ =	shalt  }
0x65: {  	_ =	shalt  }
0x66: {  	_ =	shalt  }
0x67: {  	_ =	shalt  }
0x68: {  	_ =	shalt  }
0x69: {  	_ =	shalt  }
0x6a: {  	_ =	shalt  }
0x6b: {  	_ =	shalt  }
0x6c: {  	_ =	shalt  }
0x6d: {  	_ =	shalt  }
0x6e: {  	_ =	shalt  }
0x6f: {  	_ =	shalt  }
0x70: {  	_ =	shalt  }
0x71: {  	_ =	shalt  }
0x72: {  	_ =	shalt  }
0x73: {  	_ =	shalt  }
0x74: {  	_ =	shalt  }
0x75: {  	_ =	shalt  }
0x76: {  	_ =	shalt  }
0x77: {  	_ =	shalt  }
0x78: {  	_ =	shalt  }
0x79: {  	_ =	shalt  }
0x7a: {  	_ =	shalt  }
0x7b: {  	_ =	shalt  }
0x7c: {  	_ =	shalt  }
0x7d: {  	_ =	shalt  }
0x7e: {  	_ =	shalt  }
0x7f: {  	_ =	shalt  }
0x80: {  	_ =	shalt  }
0x81: {  	_ =	shalt  }
0x82: {  	_ =	shalt  }
0x83: {  	_ =	shalt  }
0x84: {  	_ =	shalt  }
0x85: {  	_ =	shalt  }
0x86: {  	_ =	shalt  }
0x87: {  	_ =	shalt  }
.Lfunc_end0:
.L_simem_size_0:
called_computation_lowered:
.L_overlay_start_0:
0x88: {  	s2 =	sld [smem:$0x3FD9]  }
0x89: {  	s3 =	sld [smem:$0x3FFE];
	_ =	sdelay $0x1  }
0x8a: {  	s1 =	srdreg.scid  }
0x8b: {  	s0 =	sand.u32 $0x1, s1  }
0x8c: {  	s17 =	sshll.u32 s0, $0xA;
	s2 =	sadd.s32 s3, s2  }
0x8d: {  	s2 =	sadd.s32 s2, s17  }
0x8e: {  	[smem:$0x3FC3] =	sst s2  }
0x8f: {  	_ = 	snop  }
0x90: {  	s2 =	sld [smem:$0x3FD0];
	(tm) =	ssettm $0x1  }
0x91: {  	s18 =	sld [smem:$0x3FFB];
	_ =	sdelay $0x3  }
0x92: {  	_ =	strace s18  }
0x93: {  	s3 =	sld [smem:$0x3FFC];
	_ =	sdelay $0x3  }
0x94: {  	_ =	strace s3  }
0x95: {  	s3 =	sld [smem:$0x3FFD];
	_ =	sdelay $0x3  }
0x96: {  	_ =	strace s3  }
0x97: {  	_ =	strace $0x8FFFFFFF  }
0x98: {  	s19 =	sld [smem:$0x3FDB];
	_ =	sdelay $0x1  }
0x99: {  	s4 =	simm.s32 $_scs_section_size  }
0x9a: {  	s5 =	simm.s32 $_size__tile_overlayer_lowered;
	s6 =	simm.s32 $_tile_overlayer_lowered  }
0x9b: {  	s22 =	simm.s32 $0x1BFF;
	s21 =	sshll.u32 s6, $0x1;
	s3 =	sadd.s32 s4, s19  }
0x9c: {  	s7 =	simm.s32 $0x0;
	s20 =	sshll.u32 s5, $0x1;
	s5 =	sadd.s32 s21, s3  }
0x9d: {  	[timem:s7], [sflag:s22] =	dma.local [hbm:s5], s20  }
0x9e: {  	_ =	swait.ge [sflag:s22], s20  }
0x9f: {  	s4 =	ssub.s32 $0x0, s20;
	[sflag:s22] =	ssyncset.done $0x0  }
0xa0: {  	[sflag:s22] =	ssyncadd.s32 s4;
	_ =	sdelay $0x1  }
0xa1: {  	s23 =	simm.s32 $0x1B8B  }
0xa2: {  	_ =	swait.ge [sflag:s23], $0x1  }
0xa3: {  	[sflag:s23] =	ssyncset.done $0x0  }
0xa4: {  	s25 =	simm.s32 $0x1B8E;
	s24 =	sld [smem:$0x3FFE];
	[sflag:s23] =	ssyncadd.s32 $0xFFFFFFFF  }
0xa5: {  	s26 =	simm.s32 $execute0_lowered;
	[smem:$0x3FD2] =	sst s25  }
0xa6: {  	s5 =	sshll.u32 s26, $0x1;
	_ =	strace $0x80000046;
	[dreg:$0x1] =	wrdreg $0xFFFFFFFF  }
0xa7: {  	s28 =	simm.s32 $_size_execute0_lowered;
	s3 =	sadd.s32 s3, s5;
	[dreg:$0x0] =	wrdreg $0x0  }
0xa8: {  	s5 =	sshll.u32 s28, $0x1;
	[dreg:$0x2] =	wrdreg s3  }
0xa9: {  	[dreg:$0x3] =	wrdreg s5  }
0xaa: {  	[dreg:$0x4] =	wrdreg $0xC0  }
0xab: {  	_ =	task [dreg:s7], $0x5FFFF  }
0xac: {  	[dreg:$0x1] =	wrdreg $0xFFFFFFFF  }
0xad: {  	[dreg:$0x0] =	wrdreg $0x60  }
0xae: {  	[dreg:$0x2] =	wrdreg s24  }
0xaf: {  	[dreg:$0x3] =	wrdreg s2  }
0xb0: {  	[dreg:$0x4] =	wrdreg $0xDE800  }
0xb1: {  	[dreg:$0x5] =	wrdreg $0x9  }
0xb2: {  	_ =	task.clear_ibuf [dreg:s7], $0x6FFFF;
	_ =	strace $0x90000046  }
0xb3: {  	s29 =	simm.s32 $0x9;
	_ =	strace $0x80000048  }
0xb4: {  	_ =	swait.ge [sflag:s29], $0x1  }
0xb5: {  	[sflag:s29] =	ssyncadd.s32 $0xFFFFFFFF  }
0xb6: {  	_ =	strace $0x90000048  }
0xb7: {  	_ =	sfence  }
0xb8: {  	s30 =	sld [smem:$0x0];
	_ =	sdelay $0x2  }
0xb9: {  	s31 =	sshll.u32 s1, $0xD;
	s1 =	sshrl.u32 s1, $0x2  }
0xba: {  	s3 =	sand.u32 $0x4000, s31;
	s1 =	sadd.s32 s1, s30  }
0xbb: {  	s0 =	sor.u32 s3, s0;
	s1 =	sshll.u32 s1, $0x11  }
0xbc: {  	s0 =	sor.u32 s1, s0  }
0xbd: {  	s0 =	sadd.s32 $0x8F2B, s0  }
0xbe: {  	[sflag:s0] =	ssyncadd.remote.s32 $0x1  }
0xbf: {  	_ =	sfence.sel $0xFFFF  }
0xc0: {  	[dreg:$0x0] =	wrdreg $0xFFFFFFFF;
	(pc) =	sbr.abs _section_cstart, $3  }
0xc1: {  	[dreg:$0x1] =	wrdreg $0xFFFFFFFF  }
0xc2: {  	_ =	task.clear_ibuf [dreg:s7], $0x2FFFF;
	_ =	strace $0x9FFFFFFF  }
0xc3: {  	(tm) =	ssettm $0x7FFFFFFF  }
tec
execute0_lowered:
.L_overlay_start_1:
0x0: {  	(tag) =	ssettag $0x1  }
0x1: {  	s1 =	rddreg [dreg:$0x0]  }
0x2: {  	s0 =	rddreg [dreg:$0x1]  }
0x3: {  	s2 =	rddreg [dreg:$0x2]  }
0x4: {  	s3 =	srdreg.scid;
	s11 =	stileid.u32  }
0x5: {  	s4 =	simm.s32 $0x0;
	s28 =	simm.s32 $0x9C40;
	s7 =	smul.u32 $0xC800, s11  }
0x6: {  	s29 =	simm.s32 $0x9C90;
	s30 =	simm.s32 $0x9CE0;
	s13 =	smul.u32 $0x4E20, s11  }
0x7: {  	s31 =	simm.s32 $0x9D30;
	s3 =	sand.u32 $0x1, s3;
	s14 =	smul.u32 $0x32000, s11  }
0x8: {  	[smem:$0x7FF] =	sst s4;
	s5 =	sadd.s32 $0x9E00, s1;
	s6 =	smul.u32 $0xC8000, s3  }
0x9: {  	_ =	strace $0x80000047;
	s8 =	smul.u32 $0x1388, s3;
	s9 =	ssub.s32 $0x2, s3  }
0xa: {  	s3 =	smul.u32 $0x13880, s3;
	s10 =	sshrl.u32 s9, $0x1;
	s24 =	sshrl.u32 s13, $0x3  }
0xb: {  	s16 =	sshrl.u32 s14, $0x2;
	s18 =	sadd.s32 s7, s2;
	s14 =	simm.s32 $0x0  }
0xc: {  	s6 =	sadd.s32 s7, s6;
	s8 =	sadd.s32 s8, s1;
	s25 =	sadd.s32 s5, s24  }
0xd: {  	s26 =	sadd.s32 $0xA, s24;
	s8 =	sadd.s32 $0x13C00, s8;
	[dreg:$0x5] =	wrdreg s25  }
0xe: {  	s9 =	ssub.s32 s9, s10;
	s12 =	sadd.s32 s5, s26;
	[dreg:$0x4] =	wrdreg s8  }
0xf: {  	s11 =	sadd.s32 s0, s3;
	s15 =	sadd.s32 s1, s26;
	[dreg:$0x7] =	wrdreg s12  }
0x10: {  	s6 =	sshrl.u32 s6, $0x3;
	s19 =	smax.u32 s9, $0x1;
	[dreg:$0x8] =	wrdreg s15  }
0x11: {  	s6 =	sadd.s32 s6, s1;
	s8 =	sadd.s32 s1, s24;
	[dreg:$0xa] =	wrdreg s19  }
0x12: {  	s15 =	sadd.s32 s16, s2;
	[dreg:$0x6] =	wrdreg s8;
	s17 =	sadd.s32 $0x16400, s6  }
0x13: {  	s0 =	simm.s32 $0x1;
	s20 =	sadd.s32 $0x1900, s15;
	[dreg:$0x9] =	wrdreg s17  }
0x14: {  	s3 =	simm.s32 $0x50;
	s21 =	sadd.s32 $0x3200, s15;
	[dreg:$0xb] =	wrdreg s20  }
0x15: {  	v0 =	vlaneseq.u32;
	s7 =	simm.s32 $0x3;
	s22 =	sadd.s32 $0x4B00, s15;
	[dreg:$0xc] =	wrdreg s21  }
0x16: {  	v10 =	vmul.u32 $0x50, v0;
	s10 =	simm.s32 $0x4;
	s23 =	sadd.s32 $0x6400, s15;
	[dreg:$0xd] =	wrdreg s22  }
0x17: {  	s9 =	simm.s32 $0xB180;
	s24 =	sadd.s32 $0x7D00, s15;
	[dreg:$0xe] =	wrdreg s23  }
0x18: {  	v0 =	vimm.f32 $0.0e+00;
	v1 =	vadd.s32 $0x40, v10;
	s12 =	sadd.s32 $0xA0, s13;
	s25 =	sadd.s32 $0x9600, s15;
	[dreg:$0xf] =	wrdreg s24  }
0x19: {  	v2 =	vadd.s32 $0x41, v10;
	v3 =	vadd.s32 $0x540, v10;
	v4 =	vadd.s32 $0x541, v10;
	s13 =	sadd.s32 $0xF0, s13;
	s26 =	sadd.s32 $0xAF00, s15;
	[dreg:$0x10] =	wrdreg s25  }
0x1a: {  	v5 =	vadd.s32 $0xA40, v10;
	v6 =	vadd.s32 $0xA41, v10;
	v7 =	vadd.s32 $0xF40, v10;
	s6 =	simm.s32 $0x9D80;
	s8 =	simm.s32 $0x2;
	[dreg:$0x11] =	wrdreg s26  }
0x1b: {  	v8 =	vadd.s32 $0xF41, v10;
	v9 =	vadd.s32 $0x1440, v10;
	v10 =	vadd.s32 $0x1441, v10;
	s24 =	simm.s32 $0xC580;
	s25 =	sshrl.u32 s18, $0x3;
	s26 =	simm.s32 $0x5  }
.LBB2_1:
0x1c: {  	s17 =	simm.s32 $0x140;
	s16 =	simm.s32 $0x0  }
.LBB2_2:
0x1d: {  	p0 =	sne.s32 s17, $0x62C0;
	[tilespmem:s16+$0xC5C0] =	vst v0;
	s18 =	smov.u32 s17;
	s17 =	sadd.s32 $0x140, s17  }
.Ltmp0:
0x1e: {  	[tilespmem:s16+$0xC5B0] =	vst v0;
	(pc) =	sbr.rel @p0 .LBB2_2-.Ltmp0, $4  }
0x1f: {  	[tilespmem:s16+$0xC5A0] =	vst v0  }
0x20: {  	[tilespmem:s16+$0xC580] =	vst v0  }
0x21: {  	[tilespmem:s16+$0xC590] =	vst v0  }
0x22: {  	s16 =	sshra.s32 s18, $0x2  }
0x23: {  	[tilespmem:s16+$0xC5C0] =	vst v0  }
0x24: {  	[tilespmem:s16+$0xC5B0] =	vst v0  }
0x25: {  	[tilespmem:s16+$0xC5A0] =	vst v0  }
0x26: {  	[tilespmem:s16+$0xC580] =	vst v0  }
0x27: {  	[tilespmem:s16+$0xC590] =	vst v0  }
0x28: {  	[spmem:s15] =	stream.linear.scatter [tilespmem:s24], [sflag:$0x5], $0x1900, $0x38;
	[tilespmem:$0x1A680] =	vst v63  }
0x29: {  	_ =	swait.ge [sflag:s26], $0x1900  }
0x2a: {  	[sflag:s26] =	ssyncset.done $0x0  }
0x2b: {  	s20 =	rddreg [dreg:$0xb];
	[sflag:s26] =	ssyncadd.s32 $0xFFFFE700  }
0x2c: {  	[spmem:s20] =	stream.linear.scatter [tilespmem:s24], [sflag:$0x5], $0x1900, $0x38;
	[tilespmem:$0x1A680] =	vst v63  }
0x2d: {  	_ =	swait.ge [sflag:s26], $0x1900  }
0x2e: {  	[sflag:s26] =	ssyncset.done $0x0  }
0x2f: {  	s21 =	rddreg [dreg:$0xc];
	[sflag:s26] =	ssyncadd.s32 $0xFFFFE700  }
0x30: {  	[spmem:s21] =	stream.linear.scatter [tilespmem:s24], [sflag:$0x5], $0x1900, $0x38;
	[tilespmem:$0x1A680] =	vst v63  }
0x31: {  	_ =	swait.ge [sflag:s26], $0x1900  }
0x32: {  	[sflag:s26] =	ssyncset.done $0x0  }
0x33: {  	s22 =	rddreg [dreg:$0xd];
	[sflag:s26] =	ssyncadd.s32 $0xFFFFE700  }
0x34: {  	[spmem:s22] =	stream.linear.scatter [tilespmem:s24], [sflag:$0x5], $0x1900, $0x38;
	[tilespmem:$0x1A680] =	vst v63  }
0x35: {  	_ =	swait.ge [sflag:s26], $0x1900  }
0x36: {  	[sflag:s26] =	ssyncset.done $0x0  }
0x37: {  	s23 =	rddreg [dreg:$0xe];
	[sflag:s26] =	ssyncadd.s32 $0xFFFFE700  }
0x38: {  	[spmem:s23] =	stream.linear.scatter [tilespmem:s24], [sflag:$0x5], $0x1900, $0x38;
	[tilespmem:$0x1A680] =	vst v63  }
0x39: {  	_ =	swait.ge [sflag:s26], $0x1900  }
0x3a: {  	[sflag:s26] =	ssyncset.done $0x0  }
0x3b: {  	s17 =	rddreg [dreg:$0xf];
	[sflag:s26] =	ssyncadd.s32 $0xFFFFE700  }
0x3c: {  	[spmem:s17] =	stream.linear.scatter [tilespmem:s24], [sflag:$0x5], $0x1900, $0x38;
	[tilespmem:$0x1A680] =	vst v63  }
0x3d: {  	_ =	swait.ge [sflag:s26], $0x1900  }
0x3e: {  	[sflag:s26] =	ssyncset.done $0x0  }
0x3f: {  	s18 =	rddreg [dreg:$0x10];
	[sflag:s26] =	ssyncadd.s32 $0xFFFFE700  }
0x40: {  	[spmem:s18] =	stream.linear.scatter [tilespmem:s24], [sflag:$0x5], $0x1900, $0x38;
	[tilespmem:$0x1A680] =	vst v63  }
0x41: {  	_ =	swait.ge [sflag:s26], $0x1900  }
0x42: {  	[sflag:s26] =	ssyncset.done $0x0  }
0x43: {  	s19 =	rddreg [dreg:$0x11];
	[sflag:s26] =	ssyncadd.s32 $0xFFFFE700  }
0x44: {  	[spmem:s19] =	stream.linear.scatter [tilespmem:s24], [sflag:$0x5], $0x1900, $0x38;
	[tilespmem:$0x1A680] =	vst v63  }
0x45: {  	_ =	swait.ge [sflag:s26], $0x1900  }
0x46: {  	[sflag:s26] =	ssyncset.done $0x0  }
0x47: {  	s16 =	simm.s32 $0x0;
	s17 =	rddreg [dreg:$0x4];
	[sflag:s26] =	ssyncadd.s32 $0xFFFFE700  }
0x48: {  	[tilespmem:s16], [sflag:$0x5] =	stream.linear.gather [hbm4b:s17+s16], $0x9C40, $0x38;
	[tilespmem:$0x1A680] =	vst v63  }
0x49: {  	_ =	swait.ge [sflag:s26], $0x9C40  }
0x4a: {  	[sflag:s26] =	ssyncset.done $0x0  }
0x4b: {  	[sflag:s26] =	ssyncadd.s32 $0xFFFF63C0  }
0x4c: {  	[bflag:$0x0] =	sbarrier.arrive $0xFFFF  }
0x4d: {  	s20 =	rddreg [dreg:$0x5]  }
0x4e: {  	[tilespmem:s28], [sflag:$0x1] =	stream.linear.gather [hbm4b:s20+s16], $0x50, $0x38;
	[tilespmem:$0x1A680] =	vst v63  }
0x4f: {  	s21 =	rddreg [dreg:$0x6]  }
0x50: {  	[tilespmem:s29], [sflag:$0x1] =	stream.linear.gather [hbm4b:s21+s16], $0x50, $0x38;
	[tilespmem:$0x1A680] =	vst v63  }
0x51: {  	s22 =	rddreg [dreg:$0x7]  }
0x52: {  	[tilespmem:s30], [sflag:$0x2] =	stream.linear.gather [hbm4b:s22+s16], $0x50, $0x38;
	[tilespmem:$0x1A680] =	vst v63  }
0x53: {  	s23 =	rddreg [dreg:$0x8]  }
0x54: {  	[tilespmem:s31], [sflag:$0x2] =	stream.linear.gather [hbm4b:s23+s16], $0x50, $0x38;
	[tilespmem:$0x1A680] =	vst v63  }
0x55: {  	_ =	swait.ge [sflag:s0], $0x50  }
0x56: {  	[sflag:s0] =	ssyncset.done $0x0  }
0x57: {  	[sflag:s0] =	ssyncadd.s32 $0xFFFFFFB0  }
0x58: {  	_ =	swait.ge [sflag:s0], $0x50  }
0x59: {  	[sflag:s0] =	ssyncset.done $0x0  }
0x5a: {  	s17 =	simm.s32 $0x0;
	[sflag:s0] =	ssyncadd.s32 $0xFFFFFFB0  }
0x5b: {  	[tilespmem:s6], [sflag:$0x3] =	stream.indirect.gather [hbm4b:s11+s3], $0x40, s28, s3, $0xb8;
	[tilespmem:$0x1A680] =	vst v63  }
.LBB2_4:
0x5c: {  	_ =	swait.ge [sflag:s7], $0x1400  }
0x5d: {  	[sflag:s7] =	ssyncset.done $0x0  }
0x5e: {  	[sflag:s7] =	ssyncadd.s32 $0xFFFFEC00  }
0x5f: {  	_ =	swait.ge [sflag:s8], $0x50  }
0x60: {  	[sflag:s8] =	ssyncset.done $0x0  }
0x61: {  	[sflag:s8] =	ssyncadd.s32 $0xFFFFFFB0  }
0x62: {  	_ =	swait.ge [sflag:s8], $0x50  }
0x63: {  	[sflag:s8] =	ssyncset.done $0x0  }
0x64: {  	[sflag:s8] =	ssyncadd.s32 $0xFFFFFFB0  }
0x65: {  	[tilespmem:s9], [sflag:$0x4] =	stream.indirect.gather [hbm4b:s11+s3], $0x40, s30, s3, $0xb8;
	[tilespmem:$0x1A680] =	vst v63  }
0x66: {  	v11 =	vld [tilespmem:$0x9C40]  }
0x67: {  	v12 =	vld [tilespmem:$0x9C90];
	_ =	sdelay $0x4  }
0x68: {  	v11 =	vshll.u32 v11, $0x2;
	v12 =	vshll.u32 v12, $0x2  }
0x69: {  	v13 =	vor.u32 $0x2, v12;
	_ =	sdelay $0x3  }
0x6a: {  	v14 =	vld.idx.msk [tilespmem:v11+s16+$0x0], $0xffff  }
0x6b: {  	v13 =	vld.idx.msk [tilespmem:v13+s16+$0x0], $0xffff;
	_ =	sdelay $0x4  }
0x6c: {  	v13 =	vadd.f32 v13, v14;
	_ =	sdelay $0x1  }
0x6d: {  	v14 =	vmul.f32 $2.000000030e-01, v13  }
0x6e: {  	vm0 =	vgt.f32 v13, $0.0e+00  }
0x6f: {  	v13 =	vsel vm0, v13, v14  }
0x70: {  	v13 =	vmul.f32 $1.442695020e+00, v13;
	_ =	sdelay $0x1  }
0x71: {  	(erf) = vpow2.f32 v13;
	_ =	sdelay $0x5  }
0x72: {  	v11 =	vor.u32 $0x1, v11  }
0x73: {  	v12 =	vor.u32 $0x3, v12;
	_ =	sdelay $0x1  }
0x74: {  	v13 =	vpop (erf)  }
0x75: {  	[tilespmem:v1+s24+$0x0] =	vst.idx.msk $0xffff, v13  }
0x76: {  	v11 =	vld.idx.msk [tilespmem:v11+s16+$0x0], $0xffff  }
0x77: {  	v12 =	vld.idx.msk [tilespmem:v12+s16+$0x0], $0xffff;
	_ =	sdelay $0x4  }
0x78: {  	v11 =	vadd.f32 v12, v11;
	_ =	sdelay $0x1  }
0x79: {  	v12 =	vmul.f32 $2.000000030e-01, v11  }
0x7a: {  	vm7 =	vgt.f32 v11, $0.0e+00  }
0x7b: {  	v11 =	vsel vm7, v11, v12  }
0x7c: {  	v11 =	vmul.f32 $1.442695020e+00, v11;
	_ =	sdelay $0x1  }
0x7d: {  	(erf) = vpow2.f32 v11;
	_ =	sdelay $0x8  }
0x7e: {  	v11 =	vpop (erf)  }
0x7f: {  	[tilespmem:v2+s24+$0x0] =	vst.idx.msk $0xffff, v11  }
0x80: {  	v11 =	vld [tilespmem:$0x9C50]  }
0x81: {  	v12 =	vld [tilespmem:$0x9CA0];
	_ =	sdelay $0x4  }
0x82: {  	v11 =	vshll.u32 v11, $0x2;
	v12 =	vshll.u32 v12, $0x2  }
0x83: {  	v13 =	vor.u32 $0x2, v12;
	_ =	sdelay $0x3  }
0x84: {  	v14 =	vld.idx.msk [tilespmem:v11+s16+$0x0], $0xffff  }
0x85: {  	v13 =	vld.idx.msk [tilespmem:v13+s16+$0x0], $0xffff;
	_ =	sdelay $0x4  }
0x86: {  	v13 =	vadd.f32 v13, v14;
	_ =	sdelay $0x1  }
0x87: {  	v14 =	vmul.f32 $2.000000030e-01, v13  }
0x88: {  	vm8 =	vgt.f32 v13, $0.0e+00  }
0x89: {  	v13 =	vsel vm8, v13, v14  }
0x8a: {  	v13 =	vmul.f32 $1.442695020e+00, v13;
	_ =	sdelay $0x1  }
0x8b: {  	(erf) = vpow2.f32 v13;
	_ =	sdelay $0x5  }
0x8c: {  	v11 =	vor.u32 $0x1, v11  }
0x8d: {  	v12 =	vor.u32 $0x3, v12;
	_ =	sdelay $0x1  }
0x8e: {  	v13 =	vpop (erf)  }
0x8f: {  	[tilespmem:v3+s24+$0x0] =	vst.idx.msk $0xffff, v13  }
0x90: {  	v11 =	vld.idx.msk [tilespmem:v11+s16+$0x0], $0xffff  }
0x91: {  	v12 =	vld.idx.msk [tilespmem:v12+s16+$0x0], $0xffff;
	_ =	sdelay $0x4  }
0x92: {  	v11 =	vadd.f32 v12, v11;
	_ =	sdelay $0x1  }
0x93: {  	v12 =	vmul.f32 $2.000000030e-01, v11  }
0x94: {  	vm9 =	vgt.f32 v11, $0.0e+00  }
0x95: {  	v11 =	vsel vm9, v11, v12  }
0x96: {  	v11 =	vmul.f32 $1.442695020e+00, v11;
	_ =	sdelay $0x1  }
0x97: {  	(erf) = vpow2.f32 v11;
	_ =	sdelay $0x8  }
0x98: {  	v11 =	vpop (erf)  }
0x99: {  	[tilespmem:v4+s24+$0x0] =	vst.idx.msk $0xffff, v11  }
0x9a: {  	v11 =	vld [tilespmem:$0x9C60]  }
0x9b: {  	v12 =	vld [tilespmem:$0x9CB0];
	_ =	sdelay $0x4  }
0x9c: {  	v11 =	vshll.u32 v11, $0x2;
	v12 =	vshll.u32 v12, $0x2  }
0x9d: {  	v13 =	vor.u32 $0x2, v12;
	_ =	sdelay $0x3  }
0x9e: {  	v14 =	vld.idx.msk [tilespmem:v11+s16+$0x0], $0xffff  }
0x9f: {  	v13 =	vld.idx.msk [tilespmem:v13+s16+$0x0], $0xffff;
	_ =	sdelay $0x4  }
0xa0: {  	v13 =	vadd.f32 v13, v14;
	_ =	sdelay $0x1  }
0xa1: {  	v14 =	vmul.f32 $2.000000030e-01, v13  }
0xa2: {  	vm10 =	vgt.f32 v13, $0.0e+00  }
0xa3: {  	v13 =	vsel vm10, v13, v14  }
0xa4: {  	v13 =	vmul.f32 $1.442695020e+00, v13;
	_ =	sdelay $0x1  }
0xa5: {  	(erf) = vpow2.f32 v13;
	_ =	sdelay $0x5  }
0xa6: {  	v11 =	vor.u32 $0x1, v11  }
0xa7: {  	v12 =	vor.u32 $0x3, v12;
	_ =	sdelay $0x1  }
0xa8: {  	v13 =	vpop (erf)  }
0xa9: {  	[tilespmem:v5+s24+$0x0] =	vst.idx.msk $0xffff, v13  }
0xaa: {  	v11 =	vld.idx.msk [tilespmem:v11+s16+$0x0], $0xffff  }
0xab: {  	v12 =	vld.idx.msk [tilespmem:v12+s16+$0x0], $0xffff;
	_ =	sdelay $0x4  }
0xac: {  	v11 =	vadd.f32 v12, v11;
	_ =	sdelay $0x1  }
0xad: {  	v12 =	vmul.f32 $2.000000030e-01, v11  }
0xae: {  	vm11 =	vgt.f32 v11, $0.0e+00  }
0xaf: {  	v11 =	vsel vm11, v11, v12  }
0xb0: {  	v11 =	vmul.f32 $1.442695020e+00, v11;
	_ =	sdelay $0x1  }
0xb1: {  	(erf) = vpow2.f32 v11;
	_ =	sdelay $0x8  }
0xb2: {  	v11 =	vpop (erf)  }
0xb3: {  	[tilespmem:v6+s24+$0x0] =	vst.idx.msk $0xffff, v11  }
0xb4: {  	v11 =	vld [tilespmem:$0x9C70]  }
0xb5: {  	v12 =	vld [tilespmem:$0x9CC0];
	_ =	sdelay $0x4  }
0xb6: {  	v11 =	vshll.u32 v11, $0x2;
	v12 =	vshll.u32 v12, $0x2  }
0xb7: {  	v13 =	vor.u32 $0x2, v12;
	_ =	sdelay $0x3  }
0xb8: {  	v14 =	vld.idx.msk [tilespmem:v11+s16+$0x0], $0xffff  }
0xb9: {  	v13 =	vld.idx.msk [tilespmem:v13+s16+$0x0], $0xffff;
	_ =	sdelay $0x4  }
0xba: {  	v13 =	vadd.f32 v13, v14;
	_ =	sdelay $0x1  }
0xbb: {  	v14 =	vmul.f32 $2.000000030e-01, v13  }
0xbc: {  	vm12 =	vgt.f32 v13, $0.0e+00  }
0xbd: {  	v13 =	vsel vm12, v13, v14  }
0xbe: {  	v13 =	vmul.f32 $1.442695020e+00, v13;
	_ =	sdelay $0x1  }
0xbf: {  	(erf) = vpow2.f32 v13;
	_ =	sdelay $0x5  }
0xc0: {  	v11 =	vor.u32 $0x1, v11  }
0xc1: {  	v12 =	vor.u32 $0x3, v12;
	_ =	sdelay $0x1  }
0xc2: {  	v13 =	vpop (erf)  }
0xc3: {  	[tilespmem:v7+s24+$0x0] =	vst.idx.msk $0xffff, v13  }
0xc4: {  	v11 =	vld.idx.msk [tilespmem:v11+s16+$0x0], $0xffff  }
0xc5: {  	v12 =	vld.idx.msk [tilespmem:v12+s16+$0x0], $0xffff;
	_ =	sdelay $0x4  }
0xc6: {  	v11 =	vadd.f32 v12, v11;
	_ =	sdelay $0x1  }
0xc7: {  	v12 =	vmul.f32 $2.000000030e-01, v11  }
0xc8: {  	vm13 =	vgt.f32 v11, $0.0e+00  }
0xc9: {  	v11 =	vsel vm13, v11, v12  }
0xca: {  	v11 =	vmul.f32 $1.442695020e+00, v11;
	_ =	sdelay $0x1  }
0xcb: {  	(erf) = vpow2.f32 v11;
	_ =	sdelay $0x8  }
0xcc: {  	v11 =	vpop (erf)  }
0xcd: {  	[tilespmem:v8+s24+$0x0] =	vst.idx.msk $0xffff, v11  }
0xce: {  	v11 =	vld [tilespmem:$0x9C80]  }
0xcf: {  	v12 =	vld [tilespmem:$0x9CD0];
	_ =	sdelay $0x4  }
0xd0: {  	v11 =	vshll.u32 v11, $0x2;
	v12 =	vshll.u32 v12, $0x2  }
0xd1: {  	v13 =	vor.u32 $0x2, v12;
	_ =	sdelay $0x3  }
0xd2: {  	v14 =	vld.idx.msk [tilespmem:v11+s16+$0x0], $0xffff  }
0xd3: {  	v13 =	vld.idx.msk [tilespmem:v13+s16+$0x0], $0xffff;
	_ =	sdelay $0x4  }
0xd4: {  	v13 =	vadd.f32 v13, v14;
	_ =	sdelay $0x1  }
0xd5: {  	v14 =	vmul.f32 $2.000000030e-01, v13  }
0xd6: {  	vm14 =	vgt.f32 v13, $0.0e+00  }
0xd7: {  	v13 =	vsel vm14, v13, v14  }
0xd8: {  	v13 =	vmul.f32 $1.442695020e+00, v13;
	_ =	sdelay $0x1  }
0xd9: {  	(erf) = vpow2.f32 v13;
	_ =	sdelay $0x5  }
0xda: {  	v11 =	vor.u32 $0x1, v11  }
0xdb: {  	v12 =	vor.u32 $0x3, v12;
	_ =	sdelay $0x1  }
0xdc: {  	v13 =	vpop (erf)  }
0xdd: {  	[tilespmem:v9+s24+$0x0] =	vst.idx.msk $0xffff, v13  }
0xde: {  	v11 =	vld.idx.msk [tilespmem:v11+s16+$0x0], $0xffff  }
0xdf: {  	v12 =	vld.idx.msk [tilespmem:v12+s16+$0x0], $0xffff;
	_ =	sdelay $0x4  }
0xe0: {  	v11 =	vadd.f32 v12, v11;
	_ =	sdelay $0x1  }
0xe1: {  	v12 =	vmul.f32 $2.000000030e-01, v11  }
0xe2: {  	vm15 =	vgt.f32 v11, $0.0e+00  }
0xe3: {  	v11 =	vsel vm15, v11, v12  }
0xe4: {  	v11 =	vmul.f32 $1.442695020e+00, v11;
	_ =	sdelay $0x1  }
0xe5: {  	(erf) = vpow2.f32 v11;
	_ =	sdelay $0x8  }
0xe6: {  	v11 =	vpop (erf)  }
0xe7: {  	s18 =	simm.s32 $0xC5A0;
	[tilespmem:v10+s24+$0x0] =	vst.idx.msk $0xffff, v11  }
0xe8: {  	v11 =	vld [tilespmem:s18+$0x20]  }
0xe9: {  	s19 =	simm.s32 $0x0  }
0xea: {  	v12 =	vld [tilespmem:s19+$0x9D80];
	_ =	sdelay $0x2  }
0xeb: {  	v13 =	vbroadcast v11, $0x0;
	_ =	sdelay $0x1  }
0xec: {  	v12 =	vmul.f32 v13, v12;
	_ =	sdelay $0x1  }
0xed: {  	[tilespmem:s18+$0xFFFFFFE0] =	vst v12  }
0xee: {  	v12 =	vld [tilespmem:s19+$0x9D90];
	_ =	sdelay $0x4  }
0xef: {  	v12 =	vmul.f32 v12, v13;
	_ =	sdelay $0x1  }
0xf0: {  	[tilespmem:s18+$0xFFFFFFF0] =	vst v12  }
0xf1: {  	v12 =	vld [tilespmem:s19+$0x9DA0];
	_ =	sdelay $0x2  }
0xf2: {  	v11 =	vbroadcast v11, $0x1;
	_ =	sdelay $0x1  }
0xf3: {  	v12 =	vmul.f32 v12, v11;
	_ =	sdelay $0x1  }
0xf4: {  	[tilespmem:s18+$0x0] =	vst v12  }
0xf5: {  	v12 =	vld [tilespmem:s19+$0x9DB0];
	_ =	sdelay $0x4  }
0xf6: {  	s19 =	simm.s32 $0xC5F0;
	v12 =	vmul.f32 v12, v11  }
0xf7: {  	s21 =	simm.s32 $0x100;
	s20 =	simm.s32 $0x200;
	v11 =	vld [tilespmem:s19+$0x20]  }
.LBB2_5:
0xf8: {  	p0 =	sne.s32 s20, $0x4F00;
	s22 =	sshra.s32 s21, $0x2;
	[tilespmem:s18+$0x10] =	vst v12;
	s18 =	smov.u32 s19  }
0xf9: {  	s21 =	smov.u32 s20;
	v12 =	vld [tilespmem:s22+$0x9D80];
	_ =	sdelay $0x2  }
0xfa: {  	v13 =	vbroadcast v11, $0x0;
	_ =	sdelay $0x1  }
0xfb: {  	v12 =	vmul.f32 v13, v12;
	_ =	sdelay $0x1  }
0xfc: {  	[tilespmem:s19+$0xFFFFFFE0] =	vst v12  }
0xfd: {  	v12 =	vld [tilespmem:s22+$0x9D90];
	_ =	sdelay $0x4  }
0xfe: {  	v12 =	vmul.f32 v12, v13;
	_ =	sdelay $0x1  }
0xff: {  	[tilespmem:s19+$0xFFFFFFF0] =	vst v12  }
0x100: {  	v12 =	vld [tilespmem:s22+$0x9DA0];
	_ =	sdelay $0x2  }
0x101: {  	v11 =	vbroadcast v11, $0x1;
	_ =	sdelay $0x1  }
0x102: {  	v12 =	vmul.f32 v12, v11;
	_ =	sdelay $0x1  }
0x103: {  	[tilespmem:s19+$0x0] =	vst v12  }
0x104: {  	v12 =	vld [tilespmem:s22+$0x9DB0];
	_ =	sdelay $0x1  }
.Ltmp1:
0x105: {  	(pc) =	sbr.rel @p0 .LBB2_5-.Ltmp1, $3  }
0x106: {  	_ =	sdelay $0x1  }
0x107: {  	s19 =	sadd.s32 $0x50, s19;
	v12 =	vmul.f32 v12, v11  }
0x108: {  	s20 =	sadd.s32 $0x100, s20;
	v11 =	vld [tilespmem:s19+$0x20]  }
0x109: {  	s20 =	sshra.s32 s21, $0x2;
	[tilespmem:s18+$0x10] =	vst v12  }
0x10a: {  	v12 =	vld [tilespmem:s20+$0x9D80];
	_ =	sdelay $0x2  }
0x10b: {  	v13 =	vbroadcast v11, $0x0;
	_ =	sdelay $0x1  }
0x10c: {  	v12 =	vmul.f32 v13, v12;
	_ =	sdelay $0x1  }
0x10d: {  	[tilespmem:s19+$0xFFFFFFE0] =	vst v12  }
0x10e: {  	v12 =	vld [tilespmem:s20+$0x9D90];
	_ =	sdelay $0x4  }
0x10f: {  	v12 =	vmul.f32 v12, v13;
	_ =	sdelay $0x1  }
0x110: {  	[tilespmem:s19+$0xFFFFFFF0] =	vst v12  }
0x111: {  	v12 =	vld [tilespmem:s20+$0x9DA0];
	_ =	sdelay $0x2  }
0x112: {  	v11 =	vbroadcast v11, $0x1;
	_ =	sdelay $0x1  }
0x113: {  	v12 =	vmul.f32 v12, v11;
	_ =	sdelay $0x1  }
0x114: {  	[tilespmem:s19+$0x0] =	vst v12  }
0x115: {  	v12 =	vld [tilespmem:s20+$0x9DB0];
	_ =	sdelay $0x4  }
0x116: {  	s18 =	smul.u32 $0xA0, s17;
	v11 =	vmul.f32 v12, v11;
	_ =	sdelay $0x1  }
0x117: {  	[tilespmem:s19+$0x10] =	vst v11;
	s19 =	sadd.s32 s18, s12  }
0x118: {  	[spmem:s2] =	stream.indirect.scatter.add.f32 [tilespmem:s24], [sflag:$0x5], $0x50, s29, s3, $0xb8;
	[tilespmem:$0x1A680] =	vst v63  }
0x119: {  	p0 =	slt.s32 s19, $0x4E1B0  }
0x11a: {  	_ =	swait.ge [sflag:s26], $0x1900;
	s19 =	simm.s32 @!p0 $0x4E1B0  }
0x11b: {  	[sflag:s26] =	ssyncset.done $0x0;
	s23 =	sshrl.u32 s19, $0x3  }
0x11c: {  	s22 =	simm.s32 $0x0;
	[sflag:s26] =	ssyncadd.s32 $0xFFFFE700;
	s19 =	sadd.s32 s5, s23  }
0x11d: {  	[tilespmem:s28], [sflag:$0x1] =	stream.linear.gather [hbm4b:s19+s22], $0x50, $0x38;
	[tilespmem:$0x1A680] =	vst v63  }
0x11e: {  	s20 =	sadd.s32 s1, s23  }
0x11f: {  	[tilespmem:s29], [sflag:$0x1] =	stream.linear.gather [hbm4b:s20+s22], $0x50, $0x38;
	[tilespmem:$0x1A680] =	vst v63  }
0x120: {  	_ =	swait.ge [sflag:s10], $0x1400  }
0x121: {  	[sflag:s10] =	ssyncset.done $0x0  }
0x122: {  	[sflag:s10] =	ssyncadd.s32 $0xFFFFEC00  }
0x123: {  	v11 =	vld [tilespmem:$0x9CE0]  }
0x124: {  	v12 =	vld [tilespmem:$0x9D30];
	_ =	sdelay $0x4  }
0x125: {  	v11 =	vshll.u32 v11, $0x2;
	v12 =	vshll.u32 v12, $0x2  }
0x126: {  	v13 =	vor.u32 $0x2, v12;
	_ =	sdelay $0x3  }
0x127: {  	v14 =	vld.idx.msk [tilespmem:v11+s22+$0x0], $0xffff  }
0x128: {  	v13 =	vld.idx.msk [tilespmem:v13+s22+$0x0], $0xffff;
	_ =	sdelay $0x4  }
0x129: {  	v13 =	vadd.f32 v13, v14;
	_ =	sdelay $0x1  }
0x12a: {  	v14 =	vmul.f32 $2.000000030e-01, v13  }
0x12b: {  	vm0 =	vgt.f32 v13, $0.0e+00  }
0x12c: {  	v13 =	vsel vm0, v13, v14  }
0x12d: {  	v13 =	vmul.f32 $1.442695020e+00, v13;
	_ =	sdelay $0x1  }
0x12e: {  	(erf) = vpow2.f32 v13;
	_ =	sdelay $0x5  }
0x12f: {  	v11 =	vor.u32 $0x1, v11  }
0x130: {  	v12 =	vor.u32 $0x3, v12;
	_ =	sdelay $0x1  }
0x131: {  	v13 =	vpop (erf)  }
0x132: {  	[tilespmem:v1+s24+$0x0] =	vst.idx.msk $0xffff, v13  }
0x133: {  	v11 =	vld.idx.msk [tilespmem:v11+s22+$0x0], $0xffff  }
0x134: {  	v12 =	vld.idx.msk [tilespmem:v12+s22+$0x0], $0xffff;
	_ =	sdelay $0x4  }
0x135: {  	v11 =	vadd.f32 v12, v11;
	_ =	sdelay $0x1  }
0x136: {  	v12 =	vmul.f32 $2.000000030e-01, v11  }
0x137: {  	vm7 =	vgt.f32 v11, $0.0e+00  }
0x138: {  	v11 =	vsel vm7, v11, v12  }
0x139: {  	v11 =	vmul.f32 $1.442695020e+00, v11;
	_ =	sdelay $0x1  }
0x13a: {  	(erf) = vpow2.f32 v11;
	_ =	sdelay $0x8  }
0x13b: {  	v11 =	vpop (erf)  }
0x13c: {  	[tilespmem:v2+s24+$0x0] =	vst.idx.msk $0xffff, v11  }
0x13d: {  	v11 =	vld [tilespmem:$0x9CF0]  }
0x13e: {  	v12 =	vld [tilespmem:$0x9D40];
	_ =	sdelay $0x4  }
0x13f: {  	v11 =	vshll.u32 v11, $0x2;
	v12 =	vshll.u32 v12, $0x2  }
0x140: {  	v13 =	vor.u32 $0x2, v12;
	_ =	sdelay $0x3  }
0x141: {  	v14 =	vld.idx.msk [tilespmem:v11+s22+$0x0], $0xffff  }
0x142: {  	v13 =	vld.idx.msk [tilespmem:v13+s22+$0x0], $0xffff;
	_ =	sdelay $0x4  }
0x143: {  	v13 =	vadd.f32 v13, v14;
	_ =	sdelay $0x1  }
0x144: {  	v14 =	vmul.f32 $2.000000030e-01, v13  }
0x145: {  	vm8 =	vgt.f32 v13, $0.0e+00  }
0x146: {  	v13 =	vsel vm8, v13, v14  }
0x147: {  	v13 =	vmul.f32 $1.442695020e+00, v13;
	_ =	sdelay $0x1  }
0x148: {  	(erf) = vpow2.f32 v13;
	_ =	sdelay $0x5  }
0x149: {  	v11 =	vor.u32 $0x1, v11  }
0x14a: {  	v12 =	vor.u32 $0x3, v12;
	_ =	sdelay $0x1  }
0x14b: {  	v13 =	vpop (erf)  }
0x14c: {  	[tilespmem:v3+s24+$0x0] =	vst.idx.msk $0xffff, v13  }
0x14d: {  	v11 =	vld.idx.msk [tilespmem:v11+s22+$0x0], $0xffff  }
0x14e: {  	v12 =	vld.idx.msk [tilespmem:v12+s22+$0x0], $0xffff;
	_ =	sdelay $0x4  }
0x14f: {  	v11 =	vadd.f32 v12, v11;
	_ =	sdelay $0x1  }
0x150: {  	v12 =	vmul.f32 $2.000000030e-01, v11  }
0x151: {  	vm9 =	vgt.f32 v11, $0.0e+00  }
0x152: {  	v11 =	vsel vm9, v11, v12  }
0x153: {  	v11 =	vmul.f32 $1.442695020e+00, v11;
	_ =	sdelay $0x1  }
0x154: {  	(erf) = vpow2.f32 v11;
	_ =	sdelay $0x8  }
0x155: {  	v11 =	vpop (erf)  }
0x156: {  	[tilespmem:v4+s24+$0x0] =	vst.idx.msk $0xffff, v11  }
0x157: {  	v11 =	vld [tilespmem:$0x9D00]  }
0x158: {  	v12 =	vld [tilespmem:$0x9D50];
	_ =	sdelay $0x4  }
0x159: {  	v11 =	vshll.u32 v11, $0x2;
	v12 =	vshll.u32 v12, $0x2  }
0x15a: {  	v13 =	vor.u32 $0x2, v12;
	_ =	sdelay $0x3  }
0x15b: {  	v14 =	vld.idx.msk [tilespmem:v11+s22+$0x0], $0xffff  }
0x15c: {  	v13 =	vld.idx.msk [tilespmem:v13+s22+$0x0], $0xffff;
	_ =	sdelay $0x4  }
0x15d: {  	v13 =	vadd.f32 v13, v14;
	_ =	sdelay $0x1  }
0x15e: {  	v14 =	vmul.f32 $2.000000030e-01, v13  }
0x15f: {  	vm10 =	vgt.f32 v13, $0.0e+00  }
0x160: {  	v13 =	vsel vm10, v13, v14  }
0x161: {  	v13 =	vmul.f32 $1.442695020e+00, v13;
	_ =	sdelay $0x1  }
0x162: {  	(erf) = vpow2.f32 v13;
	_ =	sdelay $0x5  }
0x163: {  	v11 =	vor.u32 $0x1, v11  }
0x164: {  	v12 =	vor.u32 $0x3, v12;
	_ =	sdelay $0x1  }
0x165: {  	v13 =	vpop (erf)  }
0x166: {  	[tilespmem:v5+s24+$0x0] =	vst.idx.msk $0xffff, v13  }
0x167: {  	v11 =	vld.idx.msk [tilespmem:v11+s22+$0x0], $0xffff  }
0x168: {  	v12 =	vld.idx.msk [tilespmem:v12+s22+$0x0], $0xffff;
	_ =	sdelay $0x4  }
0x169: {  	v11 =	vadd.f32 v12, v11;
	_ =	sdelay $0x1  }
0x16a: {  	v12 =	vmul.f32 $2.000000030e-01, v11  }
0x16b: {  	vm11 =	vgt.f32 v11, $0.0e+00  }
0x16c: {  	v11 =	vsel vm11, v11, v12  }
0x16d: {  	v11 =	vmul.f32 $1.442695020e+00, v11;
	_ =	sdelay $0x1  }
0x16e: {  	(erf) = vpow2.f32 v11;
	_ =	sdelay $0x8  }
0x16f: {  	v11 =	vpop (erf)  }
0x170: {  	[tilespmem:v6+s24+$0x0] =	vst.idx.msk $0xffff, v11  }
0x171: {  	v11 =	vld [tilespmem:$0x9D10]  }
0x172: {  	v12 =	vld [tilespmem:$0x9D60];
	_ =	sdelay $0x4  }
0x173: {  	v11 =	vshll.u32 v11, $0x2;
	v12 =	vshll.u32 v12, $0x2  }
0x174: {  	v13 =	vor.u32 $0x2, v12;
	_ =	sdelay $0x3  }
0x175: {  	v14 =	vld.idx.msk [tilespmem:v11+s22+$0x0], $0xffff  }
0x176: {  	v13 =	vld.idx.msk [tilespmem:v13+s22+$0x0], $0xffff;
	_ =	sdelay $0x4  }
0x177: {  	v13 =	vadd.f32 v13, v14;
	_ =	sdelay $0x1  }
0x178: {  	v14 =	vmul.f32 $2.000000030e-01, v13  }
0x179: {  	vm12 =	vgt.f32 v13, $0.0e+00  }
0x17a: {  	v13 =	vsel vm12, v13, v14  }
0x17b: {  	v13 =	vmul.f32 $1.442695020e+00, v13;
	_ =	sdelay $0x1  }
0x17c: {  	(erf) = vpow2.f32 v13;
	_ =	sdelay $0x5  }
0x17d: {  	v11 =	vor.u32 $0x1, v11  }
0x17e: {  	v12 =	vor.u32 $0x3, v12;
	_ =	sdelay $0x1  }
0x17f: {  	v13 =	vpop (erf)  }
0x180: {  	[tilespmem:v7+s24+$0x0] =	vst.idx.msk $0xffff, v13  }
0x181: {  	v11 =	vld.idx.msk [tilespmem:v11+s22+$0x0], $0xffff  }
0x182: {  	v12 =	vld.idx.msk [tilespmem:v12+s22+$0x0], $0xffff;
	_ =	sdelay $0x4  }
0x183: {  	v11 =	vadd.f32 v12, v11;
	_ =	sdelay $0x1  }
0x184: {  	v12 =	vmul.f32 $2.000000030e-01, v11  }
0x185: {  	vm13 =	vgt.f32 v11, $0.0e+00  }
0x186: {  	v11 =	vsel vm13, v11, v12  }
0x187: {  	v11 =	vmul.f32 $1.442695020e+00, v11;
	_ =	sdelay $0x1  }
0x188: {  	(erf) = vpow2.f32 v11;
	_ =	sdelay $0x8  }
0x189: {  	v11 =	vpop (erf)  }
0x18a: {  	[tilespmem:v8+s24+$0x0] =	vst.idx.msk $0xffff, v11  }
0x18b: {  	v11 =	vld [tilespmem:$0x9D20]  }
0x18c: {  	v12 =	vld [tilespmem:$0x9D70];
	_ =	sdelay $0x4  }
0x18d: {  	v11 =	vshll.u32 v11, $0x2;
	v12 =	vshll.u32 v12, $0x2  }
0x18e: {  	v13 =	vor.u32 $0x2, v12;
	_ =	sdelay $0x3  }
0x18f: {  	v14 =	vld.idx.msk [tilespmem:v11+s22+$0x0], $0xffff  }
0x190: {  	v13 =	vld.idx.msk [tilespmem:v13+s22+$0x0], $0xffff;
	_ =	sdelay $0x4  }
0x191: {  	v13 =	vadd.f32 v13, v14;
	_ =	sdelay $0x1  }
0x192: {  	v14 =	vmul.f32 $2.000000030e-01, v13  }
0x193: {  	vm14 =	vgt.f32 v13, $0.0e+00  }
0x194: {  	v13 =	vsel vm14, v13, v14  }
0x195: {  	v13 =	vmul.f32 $1.442695020e+00, v13;
	_ =	sdelay $0x1  }
0x196: {  	(erf) = vpow2.f32 v13;
	_ =	sdelay $0x5  }
0x197: {  	v11 =	vor.u32 $0x1, v11  }
0x198: {  	v12 =	vor.u32 $0x3, v12;
	_ =	sdelay $0x1  }
0x199: {  	v13 =	vpop (erf)  }
0x19a: {  	[tilespmem:v9+s24+$0x0] =	vst.idx.msk $0xffff, v13  }
0x19b: {  	v11 =	vld.idx.msk [tilespmem:v11+s22+$0x0], $0xffff  }
0x19c: {  	v12 =	vld.idx.msk [tilespmem:v12+s22+$0x0], $0xffff;
	_ =	sdelay $0x4  }
0x19d: {  	v11 =	vadd.f32 v12, v11;
	_ =	sdelay $0x1  }
0x19e: {  	v12 =	vmul.f32 $2.000000030e-01, v11  }
0x19f: {  	vm15 =	vgt.f32 v11, $0.0e+00  }
0x1a0: {  	v11 =	vsel vm15, v11, v12  }
0x1a1: {  	v11 =	vmul.f32 $1.442695020e+00, v11;
	_ =	sdelay $0x1  }
0x1a2: {  	(erf) = vpow2.f32 v11;
	_ =	sdelay $0x8  }
0x1a3: {  	v11 =	vpop (erf)  }
0x1a4: {  	s19 =	simm.s32 $0xC5A0;
	[tilespmem:v10+s24+$0x0] =	vst.idx.msk $0xffff, v11  }
0x1a5: {  	v11 =	vld [tilespmem:s19+$0x20]  }
0x1a6: {  	s23 =	simm.s32 $0x0  }
0x1a7: {  	v12 =	vld [tilespmem:s23+$0xB180];
	_ =	sdelay $0x2  }
0x1a8: {  	v13 =	vbroadcast v11, $0x0;
	_ =	sdelay $0x1  }
0x1a9: {  	v12 =	vmul.f32 v13, v12;
	_ =	sdelay $0x1  }
0x1aa: {  	[tilespmem:s19+$0xFFFFFFE0] =	vst v12  }
0x1ab: {  	v12 =	vld [tilespmem:s23+$0xB190];
	_ =	sdelay $0x4  }
0x1ac: {  	v12 =	vmul.f32 v12, v13;
	_ =	sdelay $0x1  }
0x1ad: {  	[tilespmem:s19+$0xFFFFFFF0] =	vst v12  }
0x1ae: {  	v12 =	vld [tilespmem:s23+$0xB1A0];
	_ =	sdelay $0x2  }
0x1af: {  	v11 =	vbroadcast v11, $0x1;
	_ =	sdelay $0x1  }
0x1b0: {  	v12 =	vmul.f32 v12, v11;
	_ =	sdelay $0x1  }
0x1b1: {  	[tilespmem:s19+$0x0] =	vst v12  }
0x1b2: {  	v12 =	vld [tilespmem:s23+$0xB1B0];
	_ =	sdelay $0x4  }
0x1b3: {  	s20 =	simm.s32 $0xC5F0;
	v12 =	vmul.f32 v12, v11  }
0x1b4: {  	s21 =	simm.s32 $0x200;
	s22 =	simm.s32 $0x100;
	v11 =	vld [tilespmem:s20+$0x20]  }
.LBB2_7:
0x1b5: {  	p0 =	sne.s32 s21, $0x4F00;
	s23 =	sshra.s32 s22, $0x2;
	[tilespmem:s19+$0x10] =	vst v12;
	s19 =	smov.u32 s20  }
0x1b6: {  	s22 =	smov.u32 s21;
	v12 =	vld [tilespmem:s23+$0xB180];
	_ =	sdelay $0x2  }
0x1b7: {  	v13 =	vbroadcast v11, $0x0;
	_ =	sdelay $0x1  }
0x1b8: {  	v12 =	vmul.f32 v13, v12;
	_ =	sdelay $0x1  }
0x1b9: {  	[tilespmem:s20+$0xFFFFFFE0] =	vst v12  }
0x1ba: {  	v12 =	vld [tilespmem:s23+$0xB190];
	_ =	sdelay $0x4  }
0x1bb: {  	v12 =	vmul.f32 v12, v13;
	_ =	sdelay $0x1  }
0x1bc: {  	[tilespmem:s20+$0xFFFFFFF0] =	vst v12  }
0x1bd: {  	v12 =	vld [tilespmem:s23+$0xB1A0];
	_ =	sdelay $0x2  }
0x1be: {  	v11 =	vbroadcast v11, $0x1;
	_ =	sdelay $0x1  }
0x1bf: {  	v12 =	vmul.f32 v12, v11;
	_ =	sdelay $0x1  }
0x1c0: {  	[tilespmem:s20+$0x0] =	vst v12  }
0x1c1: {  	v12 =	vld [tilespmem:s23+$0xB1B0];
	_ =	sdelay $0x1  }
.Ltmp2:
0x1c2: {  	(pc) =	sbr.rel @p0 .LBB2_7-.Ltmp2, $3  }
0x1c3: {  	_ =	sdelay $0x1  }
0x1c4: {  	s20 =	sadd.s32 $0x50, s20;
	v12 =	vmul.f32 v12, v11  }
0x1c5: {  	s21 =	sadd.s32 $0x100, s21;
	v11 =	vld [tilespmem:s20+$0x20]  }
0x1c6: {  	s21 =	sshra.s32 s22, $0x2;
	[tilespmem:s19+$0x10] =	vst v12  }
0x1c7: {  	v12 =	vld [tilespmem:s21+$0xB180];
	_ =	sdelay $0x2  }
0x1c8: {  	v13 =	vbroadcast v11, $0x0;
	_ =	sdelay $0x1  }
0x1c9: {  	v12 =	vmul.f32 v13, v12;
	_ =	sdelay $0x1  }
0x1ca: {  	[tilespmem:s20+$0xFFFFFFE0] =	vst v12  }
0x1cb: {  	v12 =	vld [tilespmem:s21+$0xB190];
	_ =	sdelay $0x4  }
0x1cc: {  	v12 =	vmul.f32 v12, v13;
	_ =	sdelay $0x1  }
0x1cd: {  	[tilespmem:s20+$0xFFFFFFF0] =	vst v12  }
0x1ce: {  	v12 =	vld [tilespmem:s21+$0xB1A0];
	_ =	sdelay $0x2  }
0x1cf: {  	v11 =	vbroadcast v11, $0x1;
	_ =	sdelay $0x1  }
0x1d0: {  	v12 =	vmul.f32 v12, v11;
	_ =	sdelay $0x1  }
0x1d1: {  	[tilespmem:s20+$0x0] =	vst v12  }
0x1d2: {  	v12 =	vld [tilespmem:s21+$0xB1B0];
	_ =	sdelay $0x4  }
0x1d3: {  	v11 =	vmul.f32 v12, v11  }
0x1d4: {  	s18 =	sadd.s32 s18, s13  }
0x1d5: {  	p0 =	slt.s32 s18, $0x4E1B0;
	[tilespmem:s20+$0x10] =	vst v11  }
0x1d6: {  	[spmem:s2] =	stream.indirect.scatter.add.f32 [tilespmem:s24], [sflag:$0x5], $0x50, s31, s3, $0xb8;
	[tilespmem:$0x1A680] =	vst v63  }
0x1d7: {  	s18 =	simm.s32 @!p0 $0x4E1B0;
	_ =	swait.ge [sflag:s26], $0x1900  }
0x1d8: {  	s18 =	sshrl.u32 s18, $0x3;
	[sflag:s26] =	ssyncset.done $0x0  }
0x1d9: {  	s23 =	sadd.s32 s5, s18;
	[sflag:s26] =	ssyncadd.s32 $0xFFFFE700  }
0x1da: {  	[tilespmem:s30], [sflag:$0x2] =	stream.linear.gather [hbm4b:s23+s4], $0x50, $0x38;
	[tilespmem:$0x1A680] =	vst v63  }
0x1db: {  	s18 =	sadd.s32 s1, s18  }
0x1dc: {  	[tilespmem:s31], [sflag:$0x2] =	stream.linear.gather [hbm4b:s18+s4], $0x50, $0x38;
	[tilespmem:$0x1A680] =	vst v63  }
0x1dd: {  	s17 =	sadd.s32 $0x1, s17;
	_ =	swait.ge [sflag:s0], $0x50  }
0x1de: {  	p0 =	sne.s32 s17, $0x7D;
	[sflag:s0] =	ssyncset.done $0x0  }
.Ltmp3:
0x1df: {  	[sflag:s0] =	ssyncadd.s32 $0xFFFFFFB0;
	(pc) =	sbr.rel @p0 .LBB2_4-.Ltmp3, $4  }
0x1e0: {  	_ =	swait.ge [sflag:s0], $0x50  }
0x1e1: {  	[sflag:s0] =	ssyncset.done $0x0  }
0x1e2: {  	[sflag:s0] =	ssyncadd.s32 $0xFFFFFFB0  }
0x1e3: {  	[tilespmem:s6], [sflag:$0x3] =	stream.indirect.gather [hbm4b:s11+s3], $0x40, s28, s3, $0xb8;
	[tilespmem:$0x1A680] =	vst v63  }
0x1e4: {  	_ =	swait.ge [sflag:s7], $0x1400  }
0x1e5: {  	[sflag:s7] =	ssyncset.done $0x0  }
0x1e6: {  	[sflag:s7] =	ssyncadd.s32 $0xFFFFEC00  }
0x1e7: {  	_ =	swait.ge [sflag:s8], $0x50  }
0x1e8: {  	[sflag:s8] =	ssyncset.done $0x0  }
0x1e9: {  	[sflag:s8] =	ssyncadd.s32 $0xFFFFFFB0  }
0x1ea: {  	_ =	swait.ge [sflag:s8], $0x50  }
0x1eb: {  	[sflag:s8] =	ssyncset.done $0x0  }
0x1ec: {  	s16 =	stileid.u32;
	[sflag:s8] =	ssyncadd.s32 $0xFFFFFFB0  }
0x1ed: {  	s16 =	sshll.u32 s16, $0x6;
	[bflag:$0x0] =	sbarrier.arrive $0xFFFF  }
0x1ee: {  	s16 =	sor.u32 $0x1C05, s16;
	s17 =	rddreg [dreg:$0x9]  }
0x1ef: {  	[hbm:s17], [sflag:s16] =	dma.local [spmem:s25], $0x1900  }
0x1f0: {  	_ =	swait.ge [sflag:s26], $0x1900  }
0x1f1: {  	s14 =	sadd.s32 $0x1, s14;
	s23 =	rddreg [dreg:$0xa]  }
0x1f2: {  	p0 =	sne.s32 s14, s23  }
.Ltmp4:
0x1f3: {  	_ = 	snop;
	(pc) =	sbr.rel @p0 .LBB2_1-.Ltmp4, $3  }
0x1f4: {  	_ =	sdelay $0x1  }
0x1f5: {  	[sflag:s26] =	ssyncset.done $0x0  }
0x1f6: {  	[sflag:s26] =	ssyncadd.s32 $0xFFFFE700  }
0x1f7: {  	_ =	sfence.sel $0x180000  }
0x1f8: {  	[bflag:$0x0] =	sbarrier.arrive $0xFFFF  }
0x1f9: {  	_ =	strace $0x90000047  }
0x1fa: {  	s0 =	stileid.u32;
	[bflag:$0x2] =	sbarrier.arrive $0xFFFF  }
0x1fb: {  	p0 =	sne.s32 s0, $0x0;
	s0 =	rddreg [dreg:$0x3]  }
0x1fc: {  	s0 =	sadd.s32 @!p0 $0x100000, s0  }
0x1fd: {  	[sflag:s0] =	ssyncadd.tile.s32 @!p0 $0x1;
	_ =	shalt  }
.Lfunc_end2:
_tile_overlayer_lowered:
.L_overlay_start_2:
0x1fe: {  	(tag) =	ssettag $0x2  }
0x1ff: {  	s0 =	rddreg [dreg:$0x0];
	s2 =	stileid.u32  }
0x200: {  	s1 =	rddreg [dreg:$0x1];
	p0 =	sne.s32 s2, $0x0  }
0x201: {  	s3 =	rddreg [dreg:$0x2];
	[bflag:$0x3] =	sbarrier.arrive $0xFFFF;
	s2 =	simm.s32 @!p0 $0x1C05  }
0x202: {  	[timem:s3], [sflag:s2] =	dma.local @!p0 [hbm:s0], s1  }
0x203: {  	s0 =	simm.s32 @!p0 $0x5  }
0x204: {  	_ =	swait.ge @!p0 [sflag:s0], s1  }
0x205: {  	s1 =	ssub.s32 @!p0 $0x0, s1;
	[sflag:s0] =	ssyncset.done @!p0 $0x0  }
0x206: {  	[sflag:s0] =	ssyncadd.s32 @!p0 s1  }
0x207: {  	[bflag:$0x3] =	sbarrier.arrive $0xFFFF  }
0x208: {  	_ =	shalt  }

</sc_bundles>
